<compile_context>
chip_gen: v7x
topology: tpu7x:2x2x1
jax: 0.10.2.dev20260603
libtpu: 0.0.44.dev20260713+nightly
codegen_flags: <defaults>
</compile_context>

<pallas_src>
import functools

import jax
import jax.numpy as jnp
from jax import lax
from jax.experimental import pallas as pl
from jax.experimental.pallas import tpu as pltpu
from jax.experimental.pallas import tpu_sc as plsc

NUM_FIELDS = 26
EMBED_DIM = 32
BATCH = 16384
N = BATCH * NUM_FIELDS
NC, NS, L = 2, 16, 16
NW = NC * NS
PER_W = N // NW
ROWS = PER_W // 128
G = 13
GROUPS = ROWS // G
CHUNK = G * 128

TOTAL_ROWS = 2600000
KT = 65536
KB = KT // 4
PAD_ROWS = 40 * KT


def _sc_gather(idx3, pat, table_z):
    mesh = plsc.VectorSubcoreMesh(
        core_axis_name="c", subcore_axis_name="s", num_cores=NC, num_subcores=NS
    )

    @functools.partial(
        pl.kernel,
        mesh=mesh,
        compiler_params=pltpu.CompilerParams(use_tc_tiling_on_sc=False),
        out_type=jax.ShapeDtypeStruct((N, EMBED_DIM), jnp.float32),
        scratch_types=[
            pltpu.VMEM((ROWS, 128), jnp.int32),
            pltpu.VMEM((ROWS, 128), jnp.int32),
            pltpu.VMEM((CHUNK, EMBED_DIM), jnp.float32),
            pltpu.SemaphoreType.DMA,
        ],
    )
    def k(idx_hbm, pat_hbm, table_hbm, out_hbm, idx_v, pat_v, rows_v, sem):
        wid = lax.axis_index("s") * NC + lax.axis_index("c")
        pltpu.sync_copy(idx_hbm.at[wid], idx_v)
        pltpu.sync_copy(pat_hbm, pat_v)

        def add_row(g, c):
            for j in range(128 // L):
                sl = pl.ds(j * L, L)
                v = idx_v[g, sl] + pat_v[g, sl]
                idx_v[g, sl] = (
                    ((v >> 16) << 16)
                    | ((v & 16383) << 2)
                    | ((v >> 14) & 3)
                )
            return c

        lax.fori_loop(0, ROWS, add_row, 0)

        def do_group(gr, c):
            cps = [
                pltpu.async_copy(
                    table_hbm.at[idx_v.at[gr * G + t]],
                    rows_v.at[pl.ds(t * 128, 128)],
                    sem,
                )
                for t in range(G)
            ]
            for cp in cps:
                cp.wait()
            base = wid * PER_W + gr * CHUNK
            pltpu.sync_copy(rows_v, out_hbm.at[pl.ds(base, CHUNK)])
            return c

        lax.fori_loop(0, GROUPS, do_group, 0)

    return k(idx3, pat, table_z)


def _shift_eye(c):
    row = lax.broadcasted_iota(jnp.int32, (EMBED_DIM, 128), 0)
    col = lax.broadcasted_iota(jnp.int32, (EMBED_DIM, 128), 1)
    return (col == row + c * EMBED_DIM).astype(jnp.bfloat16)


def _tr_body(in_ref, out_ref):
    acc = None
    for c in range(4):
        xc = in_ref[:, c * KB : (c + 1) * KB].astype(jnp.bfloat16)
        d = jax.lax.dot_general(
            xc,
            _shift_eye(c),
            (((0,), (0,)), ((), ())),
            preferred_element_type=jnp.float32,
        )
        acc = d if acc is None else acc + d
    out_ref[...] = acc


def _tc_repack(table_t):
    z = pl.pallas_call(
        _tr_body,
        grid=(40,),
        in_specs=[pl.BlockSpec((EMBED_DIM, KT), lambda i: (0, i))],
        out_specs=pl.BlockSpec((KB, 128), lambda i: (i, 0)),
        out_shape=jax.ShapeDtypeStruct((40 * KB, 128), jnp.float32),
        compiler_params=pltpu.CompilerParams(
            vmem_limit_bytes=100 * 1024 * 1024
        ),
    )(table_t)
    return z.reshape(PAD_ROWS, EMBED_DIM)


def kernel(input, num_classes, table):
    offsets = jnp.concatenate(
        [jnp.zeros((1,), dtype=num_classes.dtype), jnp.cumsum(num_classes)[:-1]]
    ).astype(jnp.int32)
    pat = jnp.tile(offsets, PER_W // NUM_FIELDS).reshape(ROWS, 128)
    idx3 = input.reshape(NW, ROWS, 128)
    table_z = _tc_repack(table.T)
    out = _sc_gather(idx3, pat, table_z)
    return out.reshape(BATCH, NUM_FIELDS * EMBED_DIM)

# --- scband reference (transcript-rebuilt; emitter-appended) ---
"""Pipeline reference for scband-multi-categ-feat-embedding-4707284156490 (READ-ONLY COPY).

The authoritative reference and input builder live on the scoring server;
editing this copy changes nothing except your own understanding.
"""

import jax, jax.numpy as jnp
import numpy as np

NUM_FIELDS = 26
VOCAB_PER_FIELD = 100000
EMBED_DIM = 32
BATCH = 16384
TOTAL_ROWS = NUM_FIELDS * VOCAB_PER_FIELD


def setup_inputs(seed: int = 0) -> dict:
    key = jax.random.key(seed)
    k1, k2 = jax.random.split(key)
    inp = jax.random.randint(k1, (BATCH, NUM_FIELDS), 0, VOCAB_PER_FIELD, dtype=jnp.int32)
    num_classes = jnp.full((NUM_FIELDS,), VOCAB_PER_FIELD, dtype=jnp.int32)
    table = jax.random.normal(k2, (TOTAL_ROWS, EMBED_DIM), dtype=jnp.float32)
    return {"input": inp, "num_classes": num_classes, "table": table}


def reference(input, num_classes, table):
    # offset_multifeatures: shift each field's indices by cumulative vocab sizes
    offsets = jnp.concatenate([
        jnp.zeros((1,), dtype=num_classes.dtype),
        jnp.cumsum(num_classes)[:-1],
    ], axis=0).astype(input.dtype)
    idx = input + offsets  # broadcast over last dim [B, F]
    emb = jnp.take(table, idx, axis=0)  # [B, F, D]
    # flatten=True: flatten last two dims -> [B, F*D]
    return emb.reshape(emb.shape[:-2] + (emb.shape[-2] * emb.shape[-1],))

if __name__ == "__main__":
    import jax
    _d = setup_inputs()
    print(jax.jit(kernel)(*tuple(_d.values())))

</pallas_src>

<mosaic_0001>
#map = affine_map<(d0, d1) -> (0, 0, 0)>
#map1 = affine_map<(d0, d1) -> (0, 0)>
module attributes {stable_mosaic.version = 14 : i64} {
  func.func @k(%arg0: i32, %arg1: i32, %arg2: memref<32x104x128xi32, #tpu.memory_space<hbm>>, %arg3: memref<104x128xi32, #tpu.memory_space<hbm>>, %arg4: memref<2621440x32xf32, #tpu.memory_space<hbm>>, %arg5: memref<425984x32xf32, #tpu.memory_space<hbm>>, %arg6: memref<104x128xi32, #tpu.memory_space<vmem>>, %arg7: memref<104x128xi32, #tpu.memory_space<vmem>>, %arg8: memref<1664x32xf32, #tpu.memory_space<vmem>>, %arg9: memref<!tpu.dma_semaphore, #tpu.memory_space<semaphore_mem>>) attributes {dimension_semantics = [#tpu.dimension_semantics<core_parallel>, #tpu.dimension_semantics<subcore_parallel>], iteration_bounds = array<i64: 2, 16>, scalar_prefetch = 0 : i64, scratch_operands = 4 : i64, tpu.core_type = #tpu.core_type<sc_vector_subcore>, window_params = [{transform_indices = #map}, {transform_indices = #map1}, {transform_indices = #map1}, {transform_indices = #map1}]} {
    %mul3A = arith.constant 2 : i32
    %mul3A_0 = arith.muli %arg1, %mul3A : i32
    %add3A = arith.addi %mul3A_0, %arg0 : i32
    "tpu.region"() ({
      %run_scoped3A = tpu.sem_alloc : memref<!tpu.dma_semaphore, #tpu.memory_space<semaphore_mem>>
      %dma_start3A = arith.constant 0 : i32
      %dma_start3A_12 = arith.constant 0 : i32
      %dma_start3A_13 = tpu.memref_slice %arg2[%add3A, %dma_start3A, %dma_start3A_12] : memref<32x104x128xi32, #tpu.memory_space<hbm>> -> memref<1x104x128xi32, #tpu.memory_space<hbm>>
      %dma_start3A_14 = tpu.memref_squeeze %dma_start3A_13 : memref<1x104x128xi32, #tpu.memory_space<hbm>> -> memref<104x128xi32, #tpu.memory_space<hbm>>
      %dma_start3A_15 = arith.constant 0 : i32
      %dma_start3A_16 = arith.constant 0 : i32
      %dma_start3A_17 = tpu.memref_slice %arg2[%add3A, %dma_start3A_15, %dma_start3A_16] : memref<32x104x128xi32, #tpu.memory_space<hbm>> -> memref<1x104x128xi32, #tpu.memory_space<hbm>>
      %dma_start3A_18 = tpu.memref_squeeze %dma_start3A_17 : memref<1x104x128xi32, #tpu.memory_space<hbm>> -> memref<104x128xi32, #tpu.memory_space<hbm>>
      tpu.enqueue_dma source(%dma_start3A_18 : memref<104x128xi32, #tpu.memory_space<hbm>>) target(%arg6 : memref<104x128xi32, #tpu.memory_space<vmem>>) target_semaphore(%run_scoped3A : memref<!tpu.dma_semaphore, #tpu.memory_space<semaphore_mem>>)
      %dma_wait3A = arith.constant 0 : i32
      %dma_wait3A_19 = arith.constant 0 : i32
      %dma_wait3A_20 = tpu.memref_slice %arg2[%add3A, %dma_wait3A, %dma_wait3A_19] : memref<32x104x128xi32, #tpu.memory_space<hbm>> -> memref<1x104x128xi32, #tpu.memory_space<hbm>>
      %dma_wait3A_21 = tpu.memref_squeeze %dma_wait3A_20 : memref<1x104x128xi32, #tpu.memory_space<hbm>> -> memref<104x128xi32, #tpu.memory_space<hbm>>
      %dma_wait3A_22 = arith.constant 0 : i32
      %dma_wait3A_23 = arith.constant 0 : i32
      %dma_wait3A_24 = tpu.memref_slice %arg2[%add3A, %dma_wait3A_22, %dma_wait3A_23] : memref<32x104x128xi32, #tpu.memory_space<hbm>> -> memref<1x104x128xi32, #tpu.memory_space<hbm>>
      %dma_wait3A_25 = tpu.memref_squeeze %dma_wait3A_24 : memref<1x104x128xi32, #tpu.memory_space<hbm>> -> memref<104x128xi32, #tpu.memory_space<hbm>>
      tpu.wait_dma2 semaphore(%run_scoped3A : memref<!tpu.dma_semaphore, #tpu.memory_space<semaphore_mem>>) src(%dma_wait3A_25 : memref<104x128xi32, #tpu.memory_space<hbm>>) dst(%arg6 : memref<104x128xi32, #tpu.memory_space<vmem>>)
      tpu.yield
    }) : () -> ()
    "tpu.region"() ({
      %run_scoped3A = tpu.sem_alloc : memref<!tpu.dma_semaphore, #tpu.memory_space<semaphore_mem>>
      tpu.enqueue_dma source(%arg3 : memref<104x128xi32, #tpu.memory_space<hbm>>) target(%arg7 : memref<104x128xi32, #tpu.memory_space<vmem>>) target_semaphore(%run_scoped3A : memref<!tpu.dma_semaphore, #tpu.memory_space<semaphore_mem>>)
      tpu.wait_dma2 semaphore(%run_scoped3A : memref<!tpu.dma_semaphore, #tpu.memory_space<semaphore_mem>>) src(%arg3 : memref<104x128xi32, #tpu.memory_space<hbm>>) dst(%arg7 : memref<104x128xi32, #tpu.memory_space<vmem>>)
      tpu.yield
    }) : () -> ()
    %scan3A = arith.constant 0 : i32
    %scan3A_1 = arith.constant 0 : i32
    %scan3A_2 = arith.constant 104 : i32
    %scan3A_3 = arith.addi %scan3A_1, %scan3A_2 : i32
    %scan3A_4 = arith.constant 1 : i32
    scf.for %scan3A_12 = %scan3A_1 to %scan3A_3 step %scan3A_4  : i32 {
      %get3A = arith.index_cast %scan3A_12 : i32 to index
      %get3A_13 = arith.constant 0 : index
      %get3A_14 = tpu.vector_load %arg6[%get3A, %get3A_13] {strides = array<i32>} : memref<104x128xi32, #tpu.memory_space<vmem>>, vector<1x16xi32>,
      %get3A_15 = vector.shape_cast %get3A_14 : vector<1x16xi32> to vector<16xi32>
      %get3A_16 = arith.index_cast %scan3A_12 : i32 to index
      %get3A_17 = arith.constant 0 : index
      %get3A_18 = tpu.vector_load %arg7[%get3A_16, %get3A_17] {strides = array<i32>} : memref<104x128xi32, #tpu.memory_space<vmem>>, vector<1x16xi32>,
      %get3A_19 = vector.shape_cast %get3A_18 : vector<1x16xi32> to vector<16xi32>
      %add3A_20 = arith.addi %get3A_15, %get3A_19 : vector<16xi32>
      %shift_right_arithmetic3A = arith.constant 16 : i32
      %shift_right_arithmetic3A_21 = vector.broadcast %shift_right_arithmetic3A : i32 to vector<16xi32>
      %shift_right_arithmetic3A_22 = arith.shrsi %add3A_20, %shift_right_arithmetic3A_21 : vector<16xi32>
      %shift_left3A = arith.constant 16 : i32
      %shift_left3A_23 = vector.broadcast %shift_left3A : i32 to vector<16xi32>
      %shift_left3A_24 = arith.shli %shift_right_arithmetic3A_22, %shift_left3A_23 : vector<16xi32>
      %and3A = arith.constant 16383 : i32
      %and3A_25 = vector.broadcast %and3A : i32 to vector<16xi32>
      %and3A_26 = arith.andi %add3A_20, %and3A_25 : vector<16xi32>
      %shift_left3A_27 = arith.constant 2 : i32
      %shift_left3A_28 = vector.broadcast %shift_left3A_27 : i32 to vector<16xi32>
      %shift_left3A_29 = arith.shli %and3A_26, %shift_left3A_28 : vector<16xi32>
      %or3A = arith.ori %shift_left3A_24, %shift_left3A_29 : vector<16xi32>
      %shift_right_arithmetic3A_30 = arith.constant 14 : i32
      %shift_right_arithmetic3A_31 = vector.broadcast %shift_right_arithmetic3A_30 : i32 to vector<16xi32>
      %shift_right_arithmetic3A_32 = arith.shrsi %add3A_20, %shift_right_arithmetic3A_31 : vector<16xi32>
      %and3A_33 = arith.constant 3 : i32
      %and3A_34 = vector.broadcast %and3A_33 : i32 to vector<16xi32>
      %and3A_35 = arith.andi %shift_right_arithmetic3A_32, %and3A_34 : vector<16xi32>
      %or3A_36 = arith.ori %or3A, %and3A_35 : vector<16xi32>
      %swap3A = arith.index_cast %scan3A_12 : i32 to index
      %swap3A_37 = arith.constant 0 : index
      %swap3A_38 = tpu.vector_load %arg6[%swap3A, %swap3A_37] {strides = array<i32>} : memref<104x128xi32, #tpu.memory_space<vmem>>, vector<1x16xi32>,
      %swap3A_39 = vector.shape_cast %swap3A_38 : vector<1x16xi32> to vector<16xi32>
      %swap3A_40 = vector.shape_cast %or3A_36 : vector<16xi32> to vector<1x16xi32>
      tpu.vector_store %arg6[%swap3A, %swap3A_37], %swap3A_40 {strides = array<i32>} : memref<104x128xi32, #tpu.memory_space<vmem>>, vector<1x16xi32>,
      %get3A_41 = arith.index_cast %scan3A_12 : i32 to index
      %get3A_42 = arith.constant 16 : index
      %get3A_43 = tpu.vector_load %arg6[%get3A_41, %get3A_42] {strides = array<i32>} : memref<104x128xi32, #tpu.memory_space<vmem>>, vector<1x16xi32>,
      %get3A_44 = vector.shape_cast %get3A_43 : vector<1x16xi32> to vector<16xi32>
      %get3A_45 = arith.index_cast %scan3A_12 : i32 to index
      %get3A_46 = arith.constant 16 : index
      %get3A_47 = tpu.vector_load %arg7[%get3A_45, %get3A_46] {strides = array<i32>} : memref<104x128xi32, #tpu.memory_space<vmem>>, vector<1x16xi32>,
      %get3A_48 = vector.shape_cast %get3A_47 : vector<1x16xi32> to vector<16xi32>
      %add3A_49 = arith.addi %get3A_44, %get3A_48 : vector<16xi32>
      %shift_right_arithmetic3A_50 = arith.constant 16 : i32
      %shift_right_arithmetic3A_51 = vector.broadcast %shift_right_arithmetic3A_50 : i32 to vector<16xi32>
      %shift_right_arithmetic3A_52 = arith.shrsi %add3A_49, %shift_right_arithmetic3A_51 : vector<16xi32>
      %shift_left3A_53 = arith.constant 16 : i32
      %shift_left3A_54 = vector.broadcast %shift_left3A_53 : i32 to vector<16xi32>
      %shift_left3A_55 = arith.shli %shift_right_arithmetic3A_52, %shift_left3A_54 : vector<16xi32>
      %and3A_56 = arith.constant 16383 : i32
      %and3A_57 = vector.broadcast %and3A_56 : i32 to vector<16xi32>
      %and3A_58 = arith.andi %add3A_49, %and3A_57 : vector<16xi32>
      %shift_left3A_59 = arith.constant 2 : i32
      %shift_left3A_60 = vector.broadcast %shift_left3A_59 : i32 to vector<16xi32>
      %shift_left3A_61 = arith.shli %and3A_58, %shift_left3A_60 : vector<16xi32>
      %or3A_62 = arith.ori %shift_left3A_55, %shift_left3A_61 : vector<16xi32>
      %shift_right_arithmetic3A_63 = arith.constant 14 : i32
      %shift_right_arithmetic3A_64 = vector.broadcast %shift_right_arithmetic3A_63 : i32 to vector<16xi32>
      %shift_right_arithmetic3A_65 = arith.shrsi %add3A_49, %shift_right_arithmetic3A_64 : vector<16xi32>
      %and3A_66 = arith.constant 3 : i32
      %and3A_67 = vector.broadcast %and3A_66 : i32 to vector<16xi32>
      %and3A_68 = arith.andi %shift_right_arithmetic3A_65, %and3A_67 : vector<16xi32>
      %or3A_69 = arith.ori %or3A_62, %and3A_68 : vector<16xi32>
      %swap3A_70 = arith.index_cast %scan3A_12 : i32 to index
      %swap3A_71 = arith.constant 16 : index
      %swap3A_72 = tpu.vector_load %arg6[%swap3A_70, %swap3A_71] {strides = array<i32>} : memref<104x128xi32, #tpu.memory_space<vmem>>, vector<1x16xi32>,
      %swap3A_73 = vector.shape_cast %swap3A_72 : vector<1x16xi32> to vector<16xi32>
      %swap3A_74 = vector.shape_cast %or3A_69 : vector<16xi32> to vector<1x16xi32>
      tpu.vector_store %arg6[%swap3A_70, %swap3A_71], %swap3A_74 {strides = array<i32>} : memref<104x128xi32, #tpu.memory_space<vmem>>, vector<1x16xi32>,
      %get3A_75 = arith.index_cast %scan3A_12 : i32 to index
      %get3A_76 = arith.constant 32 : index
      %get3A_77 = tpu.vector_load %arg6[%get3A_75, %get3A_76] {strides = array<i32>} : memref<104x128xi32, #tpu.memory_space<vmem>>, vector<1x16xi32>,
      %get3A_78 = vector.shape_cast %get3A_77 : vector<1x16xi32> to vector<16xi32>
      %get3A_79 = arith.index_cast %scan3A_12 : i32 to index
      %get3A_80 = arith.constant 32 : index
      %get3A_81 = tpu.vector_load %arg7[%get3A_79, %get3A_80] {strides = array<i32>} : memref<104x128xi32, #tpu.memory_space<vmem>>, vector<1x16xi32>,
      %get3A_82 = vector.shape_cast %get3A_81 : vector<1x16xi32> to vector<16xi32>
      %add3A_83 = arith.addi %get3A_78, %get3A_82 : vector<16xi32>
      %shift_right_arithmetic3A_84 = arith.constant 16 : i32
      %shift_right_arithmetic3A_85 = vector.broadcast %shift_right_arithmetic3A_84 : i32 to vector<16xi32>
      %shift_right_arithmetic3A_86 = arith.shrsi %add3A_83, %shift_right_arithmetic3A_85 : vector<16xi32>
      %shift_left3A_87 = arith.constant 16 : i32
      %shift_left3A_88 = vector.broadcast %shift_left3A_87 : i32 to vector<16xi32>
      %shift_left3A_89 = arith.shli %shift_right_arithmetic3A_86, %shift_left3A_88 : vector<16xi32>
      %and3A_90 = arith.constant 16383 : i32
      %and3A_91 = vector.broadcast %and3A_90 : i32 to vector<16xi32>
      %and3A_92 = arith.andi %add3A_83, %and3A_91 : vector<16xi32>
      %shift_left3A_93 = arith.constant 2 : i32
      %shift_left3A_94 = vector.broadcast %shift_left3A_93 : i32 to vector<16xi32>
      %shift_left3A_95 = arith.shli %and3A_92, %shift_left3A_94 : vector<16xi32>
      %or3A_96 = arith.ori %shift_left3A_89, %shift_left3A_95 : vector<16xi32>
      %shift_right_arithmetic3A_97 = arith.constant 14 : i32
      %shift_right_arithmetic3A_98 = vector.broadcast %shift_right_arithmetic3A_97 : i32 to vector<16xi32>
      %shift_right_arithmetic3A_99 = arith.shrsi %add3A_83, %shift_right_arithmetic3A_98 : vector<16xi32>
      %and3A_100 = arith.constant 3 : i32
      %and3A_101 = vector.broadcast %and3A_100 : i32 to vector<16xi32>
      %and3A_102 = arith.andi %shift_right_arithmetic3A_99, %and3A_101 : vector<16xi32>
      %or3A_103 = arith.ori %or3A_96, %and3A_102 : vector<16xi32>
      %swap3A_104 = arith.index_cast %scan3A_12 : i32 to index
      %swap3A_105 = arith.constant 32 : index
      %swap3A_106 = tpu.vector_load %arg6[%swap3A_104, %swap3A_105] {strides = array<i32>} : memref<104x128xi32, #tpu.memory_space<vmem>>, vector<1x16xi32>,
      %swap3A_107 = vector.shape_cast %swap3A_106 : vector<1x16xi32> to vector<16xi32>
      %swap3A_108 = vector.shape_cast %or3A_103 : vector<16xi32> to vector<1x16xi32>
      tpu.vector_store %arg6[%swap3A_104, %swap3A_105], %swap3A_108 {strides = array<i32>} : memref<104x128xi32, #tpu.memory_space<vmem>>, vector<1x16xi32>,
      %get3A_109 = arith.index_cast %scan3A_12 : i32 to index
      %get3A_110 = arith.constant 48 : index
      %get3A_111 = tpu.vector_load %arg6[%get3A_109, %get3A_110] {strides = array<i32>} : memref<104x128xi32, #tpu.memory_space<vmem>>, vector<1x16xi32>,
      %get3A_112 = vector.shape_cast %get3A_111 : vector<1x16xi32> to vector<16xi32>
      %get3A_113 = arith.index_cast %scan3A_12 : i32 to index
      %get3A_114 = arith.constant 48 : index
      %get3A_115 = tpu.vector_load %arg7[%get3A_113, %get3A_114] {strides = array<i32>} : memref<104x128xi32, #tpu.memory_space<vmem>>, vector<1x16xi32>,
      %get3A_116 = vector.shape_cast %get3A_115 : vector<1x16xi32> to vector<16xi32>
      %add3A_117 = arith.addi %get3A_112, %get3A_116 : vector<16xi32>
      %shift_right_arithmetic3A_118 = arith.constant 16 : i32
      %shift_right_arithmetic3A_119 = vector.broadcast %shift_right_arithmetic3A_118 : i32 to vector<16xi32>
      %shift_right_arithmetic3A_120 = arith.shrsi %add3A_117, %shift_right_arithmetic3A_119 : vector<16xi32>
      %shift_left3A_121 = arith.constant 16 : i32
      %shift_left3A_122 = vector.broadcast %shift_left3A_121 : i32 to vector<16xi32>
      %shift_left3A_123 = arith.shli %shift_right_arithmetic3A_120, %shift_left3A_122 : vector<16xi32>
      %and3A_124 = arith.constant 16383 : i32
      %and3A_125 = vector.broadcast %and3A_124 : i32 to vector<16xi32>
      %and3A_126 = arith.andi %add3A_117, %and3A_125 : vector<16xi32>
      %shift_left3A_127 = arith.constant 2 : i32
      %shift_left3A_128 = vector.broadcast %shift_left3A_127 : i32 to vector<16xi32>
      %shift_left3A_129 = arith.shli %and3A_126, %shift_left3A_128 : vector<16xi32>
      %or3A_130 = arith.ori %shift_left3A_123, %shift_left3A_129 : vector<16xi32>
      %shift_right_arithmetic3A_131 = arith.constant 14 : i32
      %shift_right_arithmetic3A_132 = vector.broadcast %shift_right_arithmetic3A_131 : i32 to vector<16xi32>
      %shift_right_arithmetic3A_133 = arith.shrsi %add3A_117, %shift_right_arithmetic3A_132 : vector<16xi32>
      %and3A_134 = arith.constant 3 : i32
      %and3A_135 = vector.broadcast %and3A_134 : i32 to vector<16xi32>
      %and3A_136 = arith.andi %shift_right_arithmetic3A_133, %and3A_135 : vector<16xi32>
      %or3A_137 = arith.ori %or3A_130, %and3A_136 : vector<16xi32>
      %swap3A_138 = arith.index_cast %scan3A_12 : i32 to index
      %swap3A_139 = arith.constant 48 : index
      %swap3A_140 = tpu.vector_load %arg6[%swap3A_138, %swap3A_139] {strides = array<i32>} : memref<104x128xi32, #tpu.memory_space<vmem>>, vector<1x16xi32>,
      %swap3A_141 = vector.shape_cast %swap3A_140 : vector<1x16xi32> to vector<16xi32>
      %swap3A_142 = vector.shape_cast %or3A_137 : vector<16xi32> to vector<1x16xi32>
      tpu.vector_store %arg6[%swap3A_138, %swap3A_139], %swap3A_142 {strides = array<i32>} : memref<104x128xi32, #tpu.memory_space<vmem>>, vector<1x16xi32>,
      %get3A_143 = arith.index_cast %scan3A_12 : i32 to index
      %get3A_144 = arith.constant 64 : index
      %get3A_145 = tpu.vector_load %arg6[%get3A_143, %get3A_144] {strides = array<i32>} : memref<104x128xi32, #tpu.memory_space<vmem>>, vector<1x16xi32>,
      %get3A_146 = vector.shape_cast %get3A_145 : vector<1x16xi32> to vector<16xi32>
      %get3A_147 = arith.index_cast %scan3A_12 : i32 to index
      %get3A_148 = arith.constant 64 : index
      %get3A_149 = tpu.vector_load %arg7[%get3A_147, %get3A_148] {strides = array<i32>} : memref<104x128xi32, #tpu.memory_space<vmem>>, vector<1x16xi32>,
      %get3A_150 = vector.shape_cast %get3A_149 : vector<1x16xi32> to vector<16xi32>
      %add3A_151 = arith.addi %get3A_146, %get3A_150 : vector<16xi32>
      %shift_right_arithmetic3A_152 = arith.constant 16 : i32
      %shift_right_arithmetic3A_153 = vector.broadcast %shift_right_arithmetic3A_152 : i32 to vector<16xi32>
      %shift_right_arithmetic3A_154 = arith.shrsi %add3A_151, %shift_right_arithmetic3A_153 : vector<16xi32>
      %shift_left3A_155 = arith.constant 16 : i32
      %shift_left3A_156 = vector.broadcast %shift_left3A_155 : i32 to vector<16xi32>
      %shift_left3A_157 = arith.shli %shift_right_arithmetic3A_154, %shift_left3A_156 : vector<16xi32>
      %and3A_158 = arith.constant 16383 : i32
      %and3A_159 = vector.broadcast %and3A_158 : i32 to vector<16xi32>
      %and3A_160 = arith.andi %add3A_151, %and3A_159 : vector<16xi32>
      %shift_left3A_161 = arith.constant 2 : i32
      %shift_left3A_162 = vector.broadcast %shift_left3A_161 : i32 to vector<16xi32>
      %shift_left3A_163 = arith.shli %and3A_160, %shift_left3A_162 : vector<16xi32>
      %or3A_164 = arith.ori %shift_left3A_157, %shift_left3A_163 : vector<16xi32>
      %shift_right_arithmetic3A_165 = arith.constant 14 : i32
      %shift_right_arithmetic3A_166 = vector.broadcast %shift_right_arithmetic3A_165 : i32 to vector<16xi32>
      %shift_right_arithmetic3A_167 = arith.shrsi %add3A_151, %shift_right_arithmetic3A_166 : vector<16xi32>
      %and3A_168 = arith.constant 3 : i32
      %and3A_169 = vector.broadcast %and3A_168 : i32 to vector<16xi32>
      %and3A_170 = arith.andi %shift_right_arithmetic3A_167, %and3A_169 : vector<16xi32>
      %or3A_171 = arith.ori %or3A_164, %and3A_170 : vector<16xi32>
      %swap3A_172 = arith.index_cast %scan3A_12 : i32 to index
      %swap3A_173 = arith.constant 64 : index
      %swap3A_174 = tpu.vector_load %arg6[%swap3A_172, %swap3A_173] {strides = array<i32>} : memref<104x128xi32, #tpu.memory_space<vmem>>, vector<1x16xi32>,
      %swap3A_175 = vector.shape_cast %swap3A_174 : vector<1x16xi32> to vector<16xi32>
      %swap3A_176 = vector.shape_cast %or3A_171 : vector<16xi32> to vector<1x16xi32>
      tpu.vector_store %arg6[%swap3A_172, %swap3A_173], %swap3A_176 {strides = array<i32>} : memref<104x128xi32, #tpu.memory_space<vmem>>, vector<1x16xi32>,
      %get3A_177 = arith.index_cast %scan3A_12 : i32 to index
      %get3A_178 = arith.constant 80 : index
      %get3A_179 = tpu.vector_load %arg6[%get3A_177, %get3A_178] {strides = array<i32>} : memref<104x128xi32, #tpu.memory_space<vmem>>, vector<1x16xi32>,
      %get3A_180 = vector.shape_cast %get3A_179 : vector<1x16xi32> to vector<16xi32>
      %get3A_181 = arith.index_cast %scan3A_12 : i32 to index
      %get3A_182 = arith.constant 80 : index
      %get3A_183 = tpu.vector_load %arg7[%get3A_181, %get3A_182] {strides = array<i32>} : memref<104x128xi32, #tpu.memory_space<vmem>>, vector<1x16xi32>,
      %get3A_184 = vector.shape_cast %get3A_183 : vector<1x16xi32> to vector<16xi32>
      %add3A_185 = arith.addi %get3A_180, %get3A_184 : vector<16xi32>
      %shift_right_arithmetic3A_186 = arith.constant 16 : i32
      %shift_right_arithmetic3A_187 = vector.broadcast %shift_right_arithmetic3A_186 : i32 to vector<16xi32>
      %shift_right_arithmetic3A_188 = arith.shrsi %add3A_185, %shift_right_arithmetic3A_187 : vector<16xi32>
      %shift_left3A_189 = arith.constant 16 : i32
      %shift_left3A_190 = vector.broadcast %shift_left3A_189 : i32 to vector<16xi32>
      %shift_left3A_191 = arith.shli %shift_right_arithmetic3A_188, %shift_left3A_190 : vector<16xi32>
      %and3A_192 = arith.constant 16383 : i32
      %and3A_193 = vector.broadcast %and3A_192 : i32 to vector<16xi32>
      %and3A_194 = arith.andi %add3A_185, %and3A_193 : vector<16xi32>
      %shift_left3A_195 = arith.constant 2 : i32
      %shift_left3A_196 = vector.broadcast %shift_left3A_195 : i32 to vector<16xi32>
      %shift_left3A_197 = arith.shli %and3A_194, %shift_left3A_196 : vector<16xi32>
      %or3A_198 = arith.ori %shift_left3A_191, %shift_left3A_197 : vector<16xi32>
      %shift_right_arithmetic3A_199 = arith.constant 14 : i32
      %shift_right_arithmetic3A_200 = vector.broadcast %shift_right_arithmetic3A_199 : i32 to vector<16xi32>
      %shift_right_arithmetic3A_201 = arith.shrsi %add3A_185, %shift_right_arithmetic3A_200 : vector<16xi32>
      %and3A_202 = arith.constant 3 : i32
      %and3A_203 = vector.broadcast %and3A_202 : i32 to vector<16xi32>
      %and3A_204 = arith.andi %shift_right_arithmetic3A_201, %and3A_203 : vector<16xi32>
      %or3A_205 = arith.ori %or3A_198, %and3A_204 : vector<16xi32>
      %swap3A_206 = arith.index_cast %scan3A_12 : i32 to index
      %swap3A_207 = arith.constant 80 : index
      %swap3A_208 = tpu.vector_load %arg6[%swap3A_206, %swap3A_207] {strides = array<i32>} : memref<104x128xi32, #tpu.memory_space<vmem>>, vector<1x16xi32>,
      %swap3A_209 = vector.shape_cast %swap3A_208 : vector<1x16xi32> to vector<16xi32>
      %swap3A_210 = vector.shape_cast %or3A_205 : vector<16xi32> to vector<1x16xi32>
      tpu.vector_store %arg6[%swap3A_206, %swap3A_207], %swap3A_210 {strides = array<i32>} : memref<104x128xi32, #tpu.memory_space<vmem>>, vector<1x16xi32>,
      %get3A_211 = arith.index_cast %scan3A_12 : i32 to index
      %get3A_212 = arith.constant 96 : index
      %get3A_213 = tpu.vector_load %arg6[%get3A_211, %get3A_212] {strides = array<i32>} : memref<104x128xi32, #tpu.memory_space<vmem>>, vector<1x16xi32>,
      %get3A_214 = vector.shape_cast %get3A_213 : vector<1x16xi32> to vector<16xi32>
      %get3A_215 = arith.index_cast %scan3A_12 : i32 to index
      %get3A_216 = arith.constant 96 : index
      %get3A_217 = tpu.vector_load %arg7[%get3A_215, %get3A_216] {strides = array<i32>} : memref<104x128xi32, #tpu.memory_space<vmem>>, vector<1x16xi32>,
      %get3A_218 = vector.shape_cast %get3A_217 : vector<1x16xi32> to vector<16xi32>
      %add3A_219 = arith.addi %get3A_214, %get3A_218 : vector<16xi32>
      %shift_right_arithmetic3A_220 = arith.constant 16 : i32
      %shift_right_arithmetic3A_221 = vector.broadcast %shift_right_arithmetic3A_220 : i32 to vector<16xi32>
      %shift_right_arithmetic3A_222 = arith.shrsi %add3A_219, %shift_right_arithmetic3A_221 : vector<16xi32>
      %shift_left3A_223 = arith.constant 16 : i32
      %shift_left3A_224 = vector.broadcast %shift_left3A_223 : i32 to vector<16xi32>
      %shift_left3A_225 = arith.shli %shift_right_arithmetic3A_222, %shift_left3A_224 : vector<16xi32>
      %and3A_226 = arith.constant 16383 : i32
      %and3A_227 = vector.broadcast %and3A_226 : i32 to vector<16xi32>
      %and3A_228 = arith.andi %add3A_219, %and3A_227 : vector<16xi32>
      %shift_left3A_229 = arith.constant 2 : i32
      %shift_left3A_230 = vector.broadcast %shift_left3A_229 : i32 to vector<16xi32>
      %shift_left3A_231 = arith.shli %and3A_228, %shift_left3A_230 : vector<16xi32>
      %or3A_232 = arith.ori %shift_left3A_225, %shift_left3A_231 : vector<16xi32>
      %shift_right_arithmetic3A_233 = arith.constant 14 : i32
      %shift_right_arithmetic3A_234 = vector.broadcast %shift_right_arithmetic3A_233 : i32 to vector<16xi32>
      %shift_right_arithmetic3A_235 = arith.shrsi %add3A_219, %shift_right_arithmetic3A_234 : vector<16xi32>
      %and3A_236 = arith.constant 3 : i32
      %and3A_237 = vector.broadcast %and3A_236 : i32 to vector<16xi32>
      %and3A_238 = arith.andi %shift_right_arithmetic3A_235, %and3A_237 : vector<16xi32>
      %or3A_239 = arith.ori %or3A_232, %and3A_238 : vector<16xi32>
      %swap3A_240 = arith.index_cast %scan3A_12 : i32 to index
      %swap3A_241 = arith.constant 96 : index
      %swap3A_242 = tpu.vector_load %arg6[%swap3A_240, %swap3A_241] {strides = array<i32>} : memref<104x128xi32, #tpu.memory_space<vmem>>, vector<1x16xi32>,
      %swap3A_243 = vector.shape_cast %swap3A_242 : vector<1x16xi32> to vector<16xi32>
      %swap3A_244 = vector.shape_cast %or3A_239 : vector<16xi32> to vector<1x16xi32>
      tpu.vector_store %arg6[%swap3A_240, %swap3A_241], %swap3A_244 {strides = array<i32>} : memref<104x128xi32, #tpu.memory_space<vmem>>, vector<1x16xi32>,
      %get3A_245 = arith.index_cast %scan3A_12 : i32 to index
      %get3A_246 = arith.constant 112 : index
      %get3A_247 = tpu.vector_load %arg6[%get3A_245, %get3A_246] {strides = array<i32>} : memref<104x128xi32, #tpu.memory_space<vmem>>, vector<1x16xi32>,
      %get3A_248 = vector.shape_cast %get3A_247 : vector<1x16xi32> to vector<16xi32>
      %get3A_249 = arith.index_cast %scan3A_12 : i32 to index
      %get3A_250 = arith.constant 112 : index
      %get3A_251 = tpu.vector_load %arg7[%get3A_249, %get3A_250] {strides = array<i32>} : memref<104x128xi32, #tpu.memory_space<vmem>>, vector<1x16xi32>,
      %get3A_252 = vector.shape_cast %get3A_251 : vector<1x16xi32> to vector<16xi32>
      %add3A_253 = arith.addi %get3A_248, %get3A_252 : vector<16xi32>
      %shift_right_arithmetic3A_254 = arith.constant 16 : i32
      %shift_right_arithmetic3A_255 = vector.broadcast %shift_right_arithmetic3A_254 : i32 to vector<16xi32>
      %shift_right_arithmetic3A_256 = arith.shrsi %add3A_253, %shift_right_arithmetic3A_255 : vector<16xi32>
      %shift_left3A_257 = arith.constant 16 : i32
      %shift_left3A_258 = vector.broadcast %shift_left3A_257 : i32 to vector<16xi32>
      %shift_left3A_259 = arith.shli %shift_right_arithmetic3A_256, %shift_left3A_258 : vector<16xi32>
      %and3A_260 = arith.constant 16383 : i32
      %and3A_261 = vector.broadcast %and3A_260 : i32 to vector<16xi32>
      %and3A_262 = arith.andi %add3A_253, %and3A_261 : vector<16xi32>
      %shift_left3A_263 = arith.constant 2 : i32
      %shift_left3A_264 = vector.broadcast %shift_left3A_263 : i32 to vector<16xi32>
      %shift_left3A_265 = arith.shli %and3A_262, %shift_left3A_264 : vector<16xi32>
      %or3A_266 = arith.ori %shift_left3A_259, %shift_left3A_265 : vector<16xi32>
      %shift_right_arithmetic3A_267 = arith.constant 14 : i32
      %shift_right_arithmetic3A_268 = vector.broadcast %shift_right_arithmetic3A_267 : i32 to vector<16xi32>
      %shift_right_arithmetic3A_269 = arith.shrsi %add3A_253, %shift_right_arithmetic3A_268 : vector<16xi32>
      %and3A_270 = arith.constant 3 : i32
      %and3A_271 = vector.broadcast %and3A_270 : i32 to vector<16xi32>
      %and3A_272 = arith.andi %shift_right_arithmetic3A_269, %and3A_271 : vector<16xi32>
      %or3A_273 = arith.ori %or3A_266, %and3A_272 : vector<16xi32>
      %swap3A_274 = arith.index_cast %scan3A_12 : i32 to index
      %swap3A_275 = arith.constant 112 : index
      %swap3A_276 = tpu.vector_load %arg6[%swap3A_274, %swap3A_275] {strides = array<i32>} : memref<104x128xi32, #tpu.memory_space<vmem>>, vector<1x16xi32>,
      %swap3A_277 = vector.shape_cast %swap3A_276 : vector<1x16xi32> to vector<16xi32>
      %swap3A_278 = vector.shape_cast %or3A_273 : vector<16xi32> to vector<1x16xi32>
      tpu.vector_store %arg6[%swap3A_274, %swap3A_275], %swap3A_278 {strides = array<i32>} : memref<104x128xi32, #tpu.memory_space<vmem>>, vector<1x16xi32>,
    }
    %scan3A_5 = arith.constant 104 : i32
    %scan3A_6 = arith.constant 0 : i32
    %scan3A_7 = arith.constant 0 : i32
    %scan3A_8 = arith.constant 8 : i32
    %scan3A_9 = arith.addi %scan3A_7, %scan3A_8 : i32
    %scan3A_10 = arith.constant 1 : i32
    scf.for %scan3A_12 = %scan3A_7 to %scan3A_9 step %scan3A_10  : i32 {
      %mul3A_13 = arith.constant 13 : i32
      %mul3A_14 = arith.muli %scan3A_12, %mul3A_13 : i32
      %add3A_15 = arith.constant 0 : i32
      %add3A_16 = arith.addi %mul3A_14, %add3A_15 : i32
      %dma_start3A = arith.constant 0 : i32
      %dma_start3A_17 = arith.constant 0 : i32
      %dma_start3A_18 = tpu.memref_slice %arg8[%dma_start3A, %dma_start3A_17] : memref<1664x32xf32, #tpu.memory_space<vmem>> -> memref<128x32xf32, #tpu.memory_space<vmem>>
      %dma_start3A_19 = arith.constant 0 : i32
      %dma_start3A_20 = tpu.memref_slice %arg6[%add3A_16, %dma_start3A_19] : memref<104x128xi32, #tpu.memory_space<vmem>> -> memref<1x128xi32, #tpu.memory_space<vmem>>
      %dma_start3A_21 = tpu.memref_squeeze %dma_start3A_20 : memref<1x128xi32, #tpu.memory_space<vmem>> -> memref<128xi32, #tpu.memory_space<vmem>>
      %dma_start3A_22 = arith.constant 0 : i32
      %dma_start3A_23 = arith.constant 0 : i32
      %dma_start3A_24 = tpu.memref_slice %arg4[%dma_start3A_22, %dma_start3A_23] : memref<2621440x32xf32, #tpu.memory_space<hbm>> -> memref<2621440x32xf32, #tpu.memory_space<hbm>>
      tpu.enqueue_indirect_dma source(%dma_start3A_24 : memref<2621440x32xf32, #tpu.memory_space<hbm>>) target(%dma_start3A_18 : memref<128x32xf32, #tpu.memory_space<vmem>>) offsets(%dma_start3A_21 : memref<128xi32, #tpu.memory_space<vmem>>) semaphore(%arg9 : memref<!tpu.dma_semaphore, #tpu.memory_space<semaphore_mem>>)
      %mul3A_25 = arith.constant 13 : i32
      %mul3A_26 = arith.muli %scan3A_12, %mul3A_25 : i32
      %add3A_27 = arith.constant 1 : i32
      %add3A_28 = arith.addi %mul3A_26, %add3A_27 : i32
      %dma_start3A_29 = arith.constant 128 : i32
      %dma_start3A_30 = arith.constant 0 : i32
      %dma_start3A_31 = tpu.memref_slice %arg8[%dma_start3A_29, %dma_start3A_30] : memref<1664x32xf32, #tpu.memory_space<vmem>> -> memref<128x32xf32, #tpu.memory_space<vmem>>
      %dma_start3A_32 = arith.constant 0 : i32
      %dma_start3A_33 = tpu.memref_slice %arg6[%add3A_28, %dma_start3A_32] : memref<104x128xi32, #tpu.memory_space<vmem>> -> memref<1x128xi32, #tpu.memory_space<vmem>>
      %dma_start3A_34 = tpu.memref_squeeze %dma_start3A_33 : memref<1x128xi32, #tpu.memory_space<vmem>> -> memref<128xi32, #tpu.memory_space<vmem>>
      %dma_start3A_35 = arith.constant 0 : i32
      %dma_start3A_36 = arith.constant 0 : i32
      %dma_start3A_37 = tpu.memref_slice %arg4[%dma_start3A_35, %dma_start3A_36] : memref<2621440x32xf32, #tpu.memory_space<hbm>> -> memref<2621440x32xf32, #tpu.memory_space<hbm>>
      tpu.enqueue_indirect_dma source(%dma_start3A_37 : memref<2621440x32xf32, #tpu.memory_space<hbm>>) target(%dma_start3A_31 : memref<128x32xf32, #tpu.memory_space<vmem>>) offsets(%dma_start3A_34 : memref<128xi32, #tpu.memory_space<vmem>>) semaphore(%arg9 : memref<!tpu.dma_semaphore, #tpu.memory_space<semaphore_mem>>)
      %mul3A_38 = arith.constant 13 : i32
      %mul3A_39 = arith.muli %scan3A_12, %mul3A_38 : i32
      %add3A_40 = arith.constant 2 : i32
      %add3A_41 = arith.addi %mul3A_39, %add3A_40 : i32
      %dma_start3A_42 = arith.constant 256 : i32
      %dma_start3A_43 = arith.constant 0 : i32
      %dma_start3A_44 = tpu.memref_slice %arg8[%dma_start3A_42, %dma_start3A_43] : memref<1664x32xf32, #tpu.memory_space<vmem>> -> memref<128x32xf32, #tpu.memory_space<vmem>>
      %dma_start3A_45 = arith.constant 0 : i32
      %dma_start3A_46 = tpu.memref_slice %arg6[%add3A_41, %dma_start3A_45] : memref<104x128xi32, #tpu.memory_space<vmem>> -> memref<1x128xi32, #tpu.memory_space<vmem>>
      %dma_start3A_47 = tpu.memref_squeeze %dma_start3A_46 : memref<1x128xi32, #tpu.memory_space<vmem>> -> memref<128xi32, #tpu.memory_space<vmem>>
      %dma_start3A_48 = arith.constant 0 : i32
      %dma_start3A_49 = arith.constant 0 : i32
      %dma_start3A_50 = tpu.memref_slice %arg4[%dma_start3A_48, %dma_start3A_49] : memref<2621440x32xf32, #tpu.memory_space<hbm>> -> memref<2621440x32xf32, #tpu.memory_space<hbm>>
      tpu.enqueue_indirect_dma source(%dma_start3A_50 : memref<2621440x32xf32, #tpu.memory_space<hbm>>) target(%dma_start3A_44 : memref<128x32xf32, #tpu.memory_space<vmem>>) offsets(%dma_start3A_47 : memref<128xi32, #tpu.memory_space<vmem>>) semaphore(%arg9 : memref<!tpu.dma_semaphore, #tpu.memory_space<semaphore_mem>>)
      %mul3A_51 = arith.constant 13 : i32
      %mul3A_52 = arith.muli %scan3A_12, %mul3A_51 : i32
      %add3A_53 = arith.constant 3 : i32
      %add3A_54 = arith.addi %mul3A_52, %add3A_53 : i32
      %dma_start3A_55 = arith.constant 384 : i32
      %dma_start3A_56 = arith.constant 0 : i32
      %dma_start3A_57 = tpu.memref_slice %arg8[%dma_start3A_55, %dma_start3A_56] : memref<1664x32xf32, #tpu.memory_space<vmem>> -> memref<128x32xf32, #tpu.memory_space<vmem>>
      %dma_start3A_58 = arith.constant 0 : i32
      %dma_start3A_59 = tpu.memref_slice %arg6[%add3A_54, %dma_start3A_58] : memref<104x128xi32, #tpu.memory_space<vmem>> -> memref<1x128xi32, #tpu.memory_space<vmem>>
      %dma_start3A_60 = tpu.memref_squeeze %dma_start3A_59 : memref<1x128xi32, #tpu.memory_space<vmem>> -> memref<128xi32, #tpu.memory_space<vmem>>
      %dma_start3A_61 = arith.constant 0 : i32
      %dma_start3A_62 = arith.constant 0 : i32
      %dma_start3A_63 = tpu.memref_slice %arg4[%dma_start3A_61, %dma_start3A_62] : memref<2621440x32xf32, #tpu.memory_space<hbm>> -> memref<2621440x32xf32, #tpu.memory_space<hbm>>
      tpu.enqueue_indirect_dma source(%dma_start3A_63 : memref<2621440x32xf32, #tpu.memory_space<hbm>>) target(%dma_start3A_57 : memref<128x32xf32, #tpu.memory_space<vmem>>) offsets(%dma_start3A_60 : memref<128xi32, #tpu.memory_space<vmem>>) semaphore(%arg9 : memref<!tpu.dma_semaphore, #tpu.memory_space<semaphore_mem>>)
      %mul3A_64 = arith.constant 13 : i32
      %mul3A_65 = arith.muli %scan3A_12, %mul3A_64 : i32
      %add3A_66 = arith.constant 4 : i32
      %add3A_67 = arith.addi %mul3A_65, %add3A_66 : i32
      %dma_start3A_68 = arith.constant 512 : i32
      %dma_start3A_69 = arith.constant 0 : i32
      %dma_start3A_70 = tpu.memref_slice %arg8[%dma_start3A_68, %dma_start3A_69] : memref<1664x32xf32, #tpu.memory_space<vmem>> -> memref<128x32xf32, #tpu.memory_space<vmem>>
      %dma_start3A_71 = arith.constant 0 : i32
      %dma_start3A_72 = tpu.memref_slice %arg6[%add3A_67, %dma_start3A_71] : memref<104x128xi32, #tpu.memory_space<vmem>> -> memref<1x128xi32, #tpu.memory_space<vmem>>
      %dma_start3A_73 = tpu.memref_squeeze %dma_start3A_72 : memref<1x128xi32, #tpu.memory_space<vmem>> -> memref<128xi32, #tpu.memory_space<vmem>>
      %dma_start3A_74 = arith.constant 0 : i32
      %dma_start3A_75 = arith.constant 0 : i32
      %dma_start3A_76 = tpu.memref_slice %arg4[%dma_start3A_74, %dma_start3A_75] : memref<2621440x32xf32, #tpu.memory_space<hbm>> -> memref<2621440x32xf32, #tpu.memory_space<hbm>>
      tpu.enqueue_indirect_dma source(%dma_start3A_76 : memref<2621440x32xf32, #tpu.memory_space<hbm>>) target(%dma_start3A_70 : memref<128x32xf32, #tpu.memory_space<vmem>>) offsets(%dma_start3A_73 : memref<128xi32, #tpu.memory_space<vmem>>) semaphore(%arg9 : memref<!tpu.dma_semaphore, #tpu.memory_space<semaphore_mem>>)
      %mul3A_77 = arith.constant 13 : i32
      %mul3A_78 = arith.muli %scan3A_12, %mul3A_77 : i32
      %add3A_79 = arith.constant 5 : i32
      %add3A_80 = arith.addi %mul3A_78, %add3A_79 : i32
      %dma_start3A_81 = arith.constant 640 : i32
      %dma_start3A_82 = arith.constant 0 : i32
      %dma_start3A_83 = tpu.memref_slice %arg8[%dma_start3A_81, %dma_start3A_82] : memref<1664x32xf32, #tpu.memory_space<vmem>> -> memref<128x32xf32, #tpu.memory_space<vmem>>
      %dma_start3A_84 = arith.constant 0 : i32
      %dma_start3A_85 = tpu.memref_slice %arg6[%add3A_80, %dma_start3A_84] : memref<104x128xi32, #tpu.memory_space<vmem>> -> memref<1x128xi32, #tpu.memory_space<vmem>>
      %dma_start3A_86 = tpu.memref_squeeze %dma_start3A_85 : memref<1x128xi32, #tpu.memory_space<vmem>> -> memref<128xi32, #tpu.memory_space<vmem>>
      %dma_start3A_87 = arith.constant 0 : i32
      %dma_start3A_88 = arith.constant 0 : i32
      %dma_start3A_89 = tpu.memref_slice %arg4[%dma_start3A_87, %dma_start3A_88] : memref<2621440x32xf32, #tpu.memory_space<hbm>> -> memref<2621440x32xf32, #tpu.memory_space<hbm>>
      tpu.enqueue_indirect_dma source(%dma_start3A_89 : memref<2621440x32xf32, #tpu.memory_space<hbm>>) target(%dma_start3A_83 : memref<128x32xf32, #tpu.memory_space<vmem>>) offsets(%dma_start3A_86 : memref<128xi32, #tpu.memory_space<vmem>>) semaphore(%arg9 : memref<!tpu.dma_semaphore, #tpu.memory_space<semaphore_mem>>)
      %mul3A_90 = arith.constant 13 : i32
      %mul3A_91 = arith.muli %scan3A_12, %mul3A_90 : i32
      %add3A_92 = arith.constant 6 : i32
      %add3A_93 = arith.addi %mul3A_91, %add3A_92 : i32
      %dma_start3A_94 = arith.constant 768 : i32
      %dma_start3A_95 = arith.constant 0 : i32
      %dma_start3A_96 = tpu.memref_slice %arg8[%dma_start3A_94, %dma_start3A_95] : memref<1664x32xf32, #tpu.memory_space<vmem>> -> memref<128x32xf32, #tpu.memory_space<vmem>>
      %dma_start3A_97 = arith.constant 0 : i32
      %dma_start3A_98 = tpu.memref_slice %arg6[%add3A_93, %dma_start3A_97] : memref<104x128xi32, #tpu.memory_space<vmem>> -> memref<1x128xi32, #tpu.memory_space<vmem>>
      %dma_start3A_99 = tpu.memref_squeeze %dma_start3A_98 : memref<1x128xi32, #tpu.memory_space<vmem>> -> memref<128xi32, #tpu.memory_space<vmem>>
      %dma_start3A_100 = arith.constant 0 : i32
      %dma_start3A_101 = arith.constant 0 : i32
      %dma_start3A_102 = tpu.memref_slice %arg4[%dma_start3A_100, %dma_start3A_101] : memref<2621440x32xf32, #tpu.memory_space<hbm>> -> memref<2621440x32xf32, #tpu.memory_space<hbm>>
      tpu.enqueue_indirect_dma source(%dma_start3A_102 : memref<2621440x32xf32, #tpu.memory_space<hbm>>) target(%dma_start3A_96 : memref<128x32xf32, #tpu.memory_space<vmem>>) offsets(%dma_start3A_99 : memref<128xi32, #tpu.memory_space<vmem>>) semaphore(%arg9 : memref<!tpu.dma_semaphore, #tpu.memory_space<semaphore_mem>>)
      %mul3A_103 = arith.constant 13 : i32
      %mul3A_104 = arith.muli %scan3A_12, %mul3A_103 : i32
      %add3A_105 = arith.constant 7 : i32
      %add3A_106 = arith.addi %mul3A_104, %add3A_105 : i32
      %dma_start3A_107 = arith.constant 896 : i32
      %dma_start3A_108 = arith.constant 0 : i32
      %dma_start3A_109 = tpu.memref_slice %arg8[%dma_start3A_107, %dma_start3A_108] : memref<1664x32xf32, #tpu.memory_space<vmem>> -> memref<128x32xf32, #tpu.memory_space<vmem>>
      %dma_start3A_110 = arith.constant 0 : i32
      %dma_start3A_111 = tpu.memref_slice %arg6[%add3A_106, %dma_start3A_110] : memref<104x128xi32, #tpu.memory_space<vmem>> -> memref<1x128xi32, #tpu.memory_space<vmem>>
      %dma_start3A_112 = tpu.memref_squeeze %dma_start3A_111 : memref<1x128xi32, #tpu.memory_space<vmem>> -> memref<128xi32, #tpu.memory_space<vmem>>
      %dma_start3A_113 = arith.constant 0 : i32
      %dma_start3A_114 = arith.constant 0 : i32
      %dma_start3A_115 = tpu.memref_slice %arg4[%dma_start3A_113, %dma_start3A_114] : memref<2621440x32xf32, #tpu.memory_space<hbm>> -> memref<2621440x32xf32, #tpu.memory_space<hbm>>
      tpu.enqueue_indirect_dma source(%dma_start3A_115 : memref<2621440x32xf32, #tpu.memory_space<hbm>>) target(%dma_start3A_109 : memref<128x32xf32, #tpu.memory_space<vmem>>) offsets(%dma_start3A_112 : memref<128xi32, #tpu.memory_space<vmem>>) semaphore(%arg9 : memref<!tpu.dma_semaphore, #tpu.memory_space<semaphore_mem>>)
      %mul3A_116 = arith.constant 13 : i32
      %mul3A_117 = arith.muli %scan3A_12, %mul3A_116 : i32
      %add3A_118 = arith.constant 8 : i32
      %add3A_119 = arith.addi %mul3A_117, %add3A_118 : i32
      %dma_start3A_120 = arith.constant 1024 : i32
      %dma_start3A_121 = arith.constant 0 : i32
      %dma_start3A_122 = tpu.memref_slice %arg8[%dma_start3A_120, %dma_start3A_121] : memref<1664x32xf32, #tpu.memory_space<vmem>> -> memref<128x32xf32, #tpu.memory_space<vmem>>
      %dma_start3A_123 = arith.constant 0 : i32
      %dma_start3A_124 = tpu.memref_slice %arg6[%add3A_119, %dma_start3A_123] : memref<104x128xi32, #tpu.memory_space<vmem>> -> memref<1x128xi32, #tpu.memory_space<vmem>>
      %dma_start3A_125 = tpu.memref_squeeze %dma_start3A_124 : memref<1x128xi32, #tpu.memory_space<vmem>> -> memref<128xi32, #tpu.memory_space<vmem>>
      %dma_start3A_126 = arith.constant 0 : i32
      %dma_start3A_127 = arith.constant 0 : i32
      %dma_start3A_128 = tpu.memref_slice %arg4[%dma_start3A_126, %dma_start3A_127] : memref<2621440x32xf32, #tpu.memory_space<hbm>> -> memref<2621440x32xf32, #tpu.memory_space<hbm>>
      tpu.enqueue_indirect_dma source(%dma_start3A_128 : memref<2621440x32xf32, #tpu.memory_space<hbm>>) target(%dma_start3A_122 : memref<128x32xf32, #tpu.memory_space<vmem>>) offsets(%dma_start3A_125 : memref<128xi32, #tpu.memory_space<vmem>>) semaphore(%arg9 : memref<!tpu.dma_semaphore, #tpu.memory_space<semaphore_mem>>)
      %mul3A_129 = arith.constant 13 : i32
      %mul3A_130 = arith.muli %scan3A_12, %mul3A_129 : i32
      %add3A_131 = arith.constant 9 : i32
      %add3A_132 = arith.addi %mul3A_130, %add3A_131 : i32
      %dma_start3A_133 = arith.constant 1152 : i32
      %dma_start3A_134 = arith.constant 0 : i32
      %dma_start3A_135 = tpu.memref_slice %arg8[%dma_start3A_133, %dma_start3A_134] : memref<1664x32xf32, #tpu.memory_space<vmem>> -> memref<128x32xf32, #tpu.memory_space<vmem>>
      %dma_start3A_136 = arith.constant 0 : i32
      %dma_start3A_137 = tpu.memref_slice %arg6[%add3A_132, %dma_start3A_136] : memref<104x128xi32, #tpu.memory_space<vmem>> -> memref<1x128xi32, #tpu.memory_space<vmem>>
      %dma_start3A_138 = tpu.memref_squeeze %dma_start3A_137 : memref<1x128xi32, #tpu.memory_space<vmem>> -> memref<128xi32, #tpu.memory_space<vmem>>
      %dma_start3A_139 = arith.constant 0 : i32
      %dma_start3A_140 = arith.constant 0 : i32
      %dma_start3A_141 = tpu.memref_slice %arg4[%dma_start3A_139, %dma_start3A_140] : memref<2621440x32xf32, #tpu.memory_space<hbm>> -> memref<2621440x32xf32, #tpu.memory_space<hbm>>
      tpu.enqueue_indirect_dma source(%dma_start3A_141 : memref<2621440x32xf32, #tpu.memory_space<hbm>>) target(%dma_start3A_135 : memref<128x32xf32, #tpu.memory_space<vmem>>) offsets(%dma_start3A_138 : memref<128xi32, #tpu.memory_space<vmem>>) semaphore(%arg9 : memref<!tpu.dma_semaphore, #tpu.memory_space<semaphore_mem>>)
      %mul3A_142 = arith.constant 13 : i32
      %mul3A_143 = arith.muli %scan3A_12, %mul3A_142 : i32
      %add3A_144 = arith.constant 10 : i32
      %add3A_145 = arith.addi %mul3A_143, %add3A_144 : i32
      %dma_start3A_146 = arith.constant 1280 : i32
      %dma_start3A_147 = arith.constant 0 : i32
      %dma_start3A_148 = tpu.memref_slice %arg8[%dma_start3A_146, %dma_start3A_147] : memref<1664x32xf32, #tpu.memory_space<vmem>> -> memref<128x32xf32, #tpu.memory_space<vmem>>
      %dma_start3A_149 = arith.constant 0 : i32
      %dma_start3A_150 = tpu.memref_slice %arg6[%add3A_145, %dma_start3A_149] : memref<104x128xi32, #tpu.memory_space<vmem>> -> memref<1x128xi32, #tpu.memory_space<vmem>>
      %dma_start3A_151 = tpu.memref_squeeze %dma_start3A_150 : memref<1x128xi32, #tpu.memory_space<vmem>> -> memref<128xi32, #tpu.memory_space<vmem>>
      %dma_start3A_152 = arith.constant 0 : i32
      %dma_start3A_153 = arith.constant 0 : i32
      %dma_start3A_154 = tpu.memref_slice %arg4[%dma_start3A_152, %dma_start3A_153] : memref<2621440x32xf32, #tpu.memory_space<hbm>> -> memref<2621440x32xf32, #tpu.memory_space<hbm>>
      tpu.enqueue_indirect_dma source(%dma_start3A_154 : memref<2621440x32xf32, #tpu.memory_space<hbm>>) target(%dma_start3A_148 : memref<128x32xf32, #tpu.memory_space<vmem>>) offsets(%dma_start3A_151 : memref<128xi32, #tpu.memory_space<vmem>>) semaphore(%arg9 : memref<!tpu.dma_semaphore, #tpu.memory_space<semaphore_mem>>)
      %mul3A_155 = arith.constant 13 : i32
      %mul3A_156 = arith.muli %scan3A_12, %mul3A_155 : i32
      %add3A_157 = arith.constant 11 : i32
      %add3A_158 = arith.addi %mul3A_156, %add3A_157 : i32
      %dma_start3A_159 = arith.constant 1408 : i32
      %dma_start3A_160 = arith.constant 0 : i32
      %dma_start3A_161 = tpu.memref_slice %arg8[%dma_start3A_159, %dma_start3A_160] : memref<1664x32xf32, #tpu.memory_space<vmem>> -> memref<128x32xf32, #tpu.memory_space<vmem>>
      %dma_start3A_162 = arith.constant 0 : i32
      %dma_start3A_163 = tpu.memref_slice %arg6[%add3A_158, %dma_start3A_162] : memref<104x128xi32, #tpu.memory_space<vmem>> -> memref<1x128xi32, #tpu.memory_space<vmem>>
      %dma_start3A_164 = tpu.memref_squeeze %dma_start3A_163 : memref<1x128xi32, #tpu.memory_space<vmem>> -> memref<128xi32, #tpu.memory_space<vmem>>
      %dma_start3A_165 = arith.constant 0 : i32
      %dma_start3A_166 = arith.constant 0 : i32
      %dma_start3A_167 = tpu.memref_slice %arg4[%dma_start3A_165, %dma_start3A_166] : memref<2621440x32xf32, #tpu.memory_space<hbm>> -> memref<2621440x32xf32, #tpu.memory_space<hbm>>
      tpu.enqueue_indirect_dma source(%dma_start3A_167 : memref<2621440x32xf32, #tpu.memory_space<hbm>>) target(%dma_start3A_161 : memref<128x32xf32, #tpu.memory_space<vmem>>) offsets(%dma_start3A_164 : memref<128xi32, #tpu.memory_space<vmem>>) semaphore(%arg9 : memref<!tpu.dma_semaphore, #tpu.memory_space<semaphore_mem>>)
      %mul3A_168 = arith.constant 13 : i32
      %mul3A_169 = arith.muli %scan3A_12, %mul3A_168 : i32
      %add3A_170 = arith.constant 12 : i32
      %add3A_171 = arith.addi %mul3A_169, %add3A_170 : i32
      %dma_start3A_172 = arith.constant 1536 : i32
      %dma_start3A_173 = arith.constant 0 : i32
      %dma_start3A_174 = tpu.memref_slice %arg8[%dma_start3A_172, %dma_start3A_173] : memref<1664x32xf32, #tpu.memory_space<vmem>> -> memref<128x32xf32, #tpu.memory_space<vmem>>
      %dma_start3A_175 = arith.constant 0 : i32
      %dma_start3A_176 = tpu.memref_slice %arg6[%add3A_171, %dma_start3A_175] : memref<104x128xi32, #tpu.memory_space<vmem>> -> memref<1x128xi32, #tpu.memory_space<vmem>>
      %dma_start3A_177 = tpu.memref_squeeze %dma_start3A_176 : memref<1x128xi32, #tpu.memory_space<vmem>> -> memref<128xi32, #tpu.memory_space<vmem>>
      %dma_start3A_178 = arith.constant 0 : i32
      %dma_start3A_179 = arith.constant 0 : i32
      %dma_start3A_180 = tpu.memref_slice %arg4[%dma_start3A_178, %dma_start3A_179] : memref<2621440x32xf32, #tpu.memory_space<hbm>> -> memref<2621440x32xf32, #tpu.memory_space<hbm>>
      tpu.enqueue_indirect_dma source(%dma_start3A_180 : memref<2621440x32xf32, #tpu.memory_space<hbm>>) target(%dma_start3A_174 : memref<128x32xf32, #tpu.memory_space<vmem>>) offsets(%dma_start3A_177 : memref<128xi32, #tpu.memory_space<vmem>>) semaphore(%arg9 : memref<!tpu.dma_semaphore, #tpu.memory_space<semaphore_mem>>)
      %dma_wait3A = arith.constant 0 : i32
      %dma_wait3A_181 = arith.constant 0 : i32
      %dma_wait3A_182 = tpu.memref_slice %arg8[%dma_wait3A, %dma_wait3A_181] : memref<1664x32xf32, #tpu.memory_space<vmem>> -> memref<128x32xf32, #tpu.memory_space<vmem>>
      %dma_wait3A_183 = arith.constant 0 : i32
      %dma_wait3A_184 = tpu.memref_slice %arg6[%add3A_16, %dma_wait3A_183] : memref<104x128xi32, #tpu.memory_space<vmem>> -> memref<1x128xi32, #tpu.memory_space<vmem>>
      %dma_wait3A_185 = tpu.memref_squeeze %dma_wait3A_184 : memref<1x128xi32, #tpu.memory_space<vmem>> -> memref<128xi32, #tpu.memory_space<vmem>>
      %dma_wait3A_186 = arith.constant 0 : i32
      %dma_wait3A_187 = arith.constant 0 : i32
      %dma_wait3A_188 = tpu.memref_slice %arg4[%dma_wait3A_186, %dma_wait3A_187] : memref<2621440x32xf32, #tpu.memory_space<hbm>> -> memref<2621440x32xf32, #tpu.memory_space<hbm>>
      tpu.wait_indirect_dma semaphore(%arg9 : memref<!tpu.dma_semaphore, #tpu.memory_space<semaphore_mem>>) src(%dma_wait3A_188 : memref<2621440x32xf32, #tpu.memory_space<hbm>>) dst(%dma_wait3A_182 : memref<128x32xf32, #tpu.memory_space<vmem>>)
      %dma_wait3A_189 = arith.constant 128 : i32
      %dma_wait3A_190 = arith.constant 0 : i32
      %dma_wait3A_191 = tpu.memref_slice %arg8[%dma_wait3A_189, %dma_wait3A_190] : memref<1664x32xf32, #tpu.memory_space<vmem>> -> memref<128x32xf32, #tpu.memory_space<vmem>>
      %dma_wait3A_192 = arith.constant 0 : i32
      %dma_wait3A_193 = tpu.memref_slice %arg6[%add3A_28, %dma_wait3A_192] : memref<104x128xi32, #tpu.memory_space<vmem>> -> memref<1x128xi32, #tpu.memory_space<vmem>>
      %dma_wait3A_194 = tpu.memref_squeeze %dma_wait3A_193 : memref<1x128xi32, #tpu.memory_space<vmem>> -> memref<128xi32, #tpu.memory_space<vmem>>
      %dma_wait3A_195 = arith.constant 0 : i32
      %dma_wait3A_196 = arith.constant 0 : i32
      %dma_wait3A_197 = tpu.memref_slice %arg4[%dma_wait3A_195, %dma_wait3A_196] : memref<2621440x32xf32, #tpu.memory_space<hbm>> -> memref<2621440x32xf32, #tpu.memory_space<hbm>>
      tpu.wait_indirect_dma semaphore(%arg9 : memref<!tpu.dma_semaphore, #tpu.memory_space<semaphore_mem>>) src(%dma_wait3A_197 : memref<2621440x32xf32, #tpu.memory_space<hbm>>) dst(%dma_wait3A_191 : memref<128x32xf32, #tpu.memory_space<vmem>>)
      %dma_wait3A_198 = arith.constant 256 : i32
      %dma_wait3A_199 = arith.constant 0 : i32
      %dma_wait3A_200 = tpu.memref_slice %arg8[%dma_wait3A_198, %dma_wait3A_199] : memref<1664x32xf32, #tpu.memory_space<vmem>> -> memref<128x32xf32, #tpu.memory_space<vmem>>
      %dma_wait3A_201 = arith.constant 0 : i32
      %dma_wait3A_202 = tpu.memref_slice %arg6[%add3A_41, %dma_wait3A_201] : memref<104x128xi32, #tpu.memory_space<vmem>> -> memref<1x128xi32, #tpu.memory_space<vmem>>
      %dma_wait3A_203 = tpu.memref_squeeze %dma_wait3A_202 : memref<1x128xi32, #tpu.memory_space<vmem>> -> memref<128xi32, #tpu.memory_space<vmem>>
      %dma_wait3A_204 = arith.constant 0 : i32
      %dma_wait3A_205 = arith.constant 0 : i32
      %dma_wait3A_206 = tpu.memref_slice %arg4[%dma_wait3A_204, %dma_wait3A_205] : memref<2621440x32xf32, #tpu.memory_space<hbm>> -> memref<2621440x32xf32, #tpu.memory_space<hbm>>
      tpu.wait_indirect_dma semaphore(%arg9 : memref<!tpu.dma_semaphore, #tpu.memory_space<semaphore_mem>>) src(%dma_wait3A_206 : memref<2621440x32xf32, #tpu.memory_space<hbm>>) dst(%dma_wait3A_200 : memref<128x32xf32, #tpu.memory_space<vmem>>)
      %dma_wait3A_207 = arith.constant 384 : i32
      %dma_wait3A_208 = arith.constant 0 : i32
      %dma_wait3A_209 = tpu.memref_slice %arg8[%dma_wait3A_207, %dma_wait3A_208] : memref<1664x32xf32, #tpu.memory_space<vmem>> -> memref<128x32xf32, #tpu.memory_space<vmem>>
      %dma_wait3A_210 = arith.constant 0 : i32
      %dma_wait3A_211 = tpu.memref_slice %arg6[%add3A_54, %dma_wait3A_210] : memref<104x128xi32, #tpu.memory_space<vmem>> -> memref<1x128xi32, #tpu.memory_space<vmem>>
      %dma_wait3A_212 = tpu.memref_squeeze %dma_wait3A_211 : memref<1x128xi32, #tpu.memory_space<vmem>> -> memref<128xi32, #tpu.memory_space<vmem>>
      %dma_wait3A_213 = arith.constant 0 : i32
      %dma_wait3A_214 = arith.constant 0 : i32
      %dma_wait3A_215 = tpu.memref_slice %arg4[%dma_wait3A_213, %dma_wait3A_214] : memref<2621440x32xf32, #tpu.memory_space<hbm>> -> memref<2621440x32xf32, #tpu.memory_space<hbm>>
      tpu.wait_indirect_dma semaphore(%arg9 : memref<!tpu.dma_semaphore, #tpu.memory_space<semaphore_mem>>) src(%dma_wait3A_215 : memref<2621440x32xf32, #tpu.memory_space<hbm>>) dst(%dma_wait3A_209 : memref<128x32xf32, #tpu.memory_space<vmem>>)
      %dma_wait3A_216 = arith.constant 512 : i32
      %dma_wait3A_217 = arith.constant 0 : i32
      %dma_wait3A_218 = tpu.memref_slice %arg8[%dma_wait3A_216, %dma_wait3A_217] : memref<1664x32xf32, #tpu.memory_space<vmem>> -> memref<128x32xf32, #tpu.memory_space<vmem>>
      %dma_wait3A_219 = arith.constant 0 : i32
      %dma_wait3A_220 = tpu.memref_slice %arg6[%add3A_67, %dma_wait3A_219] : memref<104x128xi32, #tpu.memory_space<vmem>> -> memref<1x128xi32, #tpu.memory_space<vmem>>
      %dma_wait3A_221 = tpu.memref_squeeze %dma_wait3A_220 : memref<1x128xi32, #tpu.memory_space<vmem>> -> memref<128xi32, #tpu.memory_space<vmem>>
      %dma_wait3A_222 = arith.constant 0 : i32
      %dma_wait3A_223 = arith.constant 0 : i32
      %dma_wait3A_224 = tpu.memref_slice %arg4[%dma_wait3A_222, %dma_wait3A_223] : memref<2621440x32xf32, #tpu.memory_space<hbm>> -> memref<2621440x32xf32, #tpu.memory_space<hbm>>
      tpu.wait_indirect_dma semaphore(%arg9 : memref<!tpu.dma_semaphore, #tpu.memory_space<semaphore_mem>>) src(%dma_wait3A_224 : memref<2621440x32xf32, #tpu.memory_space<hbm>>) dst(%dma_wait3A_218 : memref<128x32xf32, #tpu.memory_space<vmem>>)
      %dma_wait3A_225 = arith.constant 640 : i32
      %dma_wait3A_226 = arith.constant 0 : i32
      %dma_wait3A_227 = tpu.memref_slice %arg8[%dma_wait3A_225, %dma_wait3A_226] : memref<1664x32xf32, #tpu.memory_space<vmem>> -> memref<128x32xf32, #tpu.memory_space<vmem>>
      %dma_wait3A_228 = arith.constant 0 : i32
      %dma_wait3A_229 = tpu.memref_slice %arg6[%add3A_80, %dma_wait3A_228] : memref<104x128xi32, #tpu.memory_space<vmem>> -> memref<1x128xi32, #tpu.memory_space<vmem>>
      %dma_wait3A_230 = tpu.memref_squeeze %dma_wait3A_229 : memref<1x128xi32, #tpu.memory_space<vmem>> -> memref<128xi32, #tpu.memory_space<vmem>>
      %dma_wait3A_231 = arith.constant 0 : i32
      %dma_wait3A_232 = arith.constant 0 : i32
      %dma_wait3A_233 = tpu.memref_slice %arg4[%dma_wait3A_231, %dma_wait3A_232] : memref<2621440x32xf32, #tpu.memory_space<hbm>> -> memref<2621440x32xf32, #tpu.memory_space<hbm>>
      tpu.wait_indirect_dma semaphore(%arg9 : memref<!tpu.dma_semaphore, #tpu.memory_space<semaphore_mem>>) src(%dma_wait3A_233 : memref<2621440x32xf32, #tpu.memory_space<hbm>>) dst(%dma_wait3A_227 : memref<128x32xf32, #tpu.memory_space<vmem>>)
      %dma_wait3A_234 = arith.constant 768 : i32
      %dma_wait3A_235 = arith.constant 0 : i32
      %dma_wait3A_236 = tpu.memref_slice %arg8[%dma_wait3A_234, %dma_wait3A_235] : memref<1664x32xf32, #tpu.memory_space<vmem>> -> memref<128x32xf32, #tpu.memory_space<vmem>>
      %dma_wait3A_237 = arith.constant 0 : i32
      %dma_wait3A_238 = tpu.memref_slice %arg6[%add3A_93, %dma_wait3A_237] : memref<104x128xi32, #tpu.memory_space<vmem>> -> memref<1x128xi32, #tpu.memory_space<vmem>>
      %dma_wait3A_239 = tpu.memref_squeeze %dma_wait3A_238 : memref<1x128xi32, #tpu.memory_space<vmem>> -> memref<128xi32, #tpu.memory_space<vmem>>
      %dma_wait3A_240 = arith.constant 0 : i32
      %dma_wait3A_241 = arith.constant 0 : i32
      %dma_wait3A_242 = tpu.memref_slice %arg4[%dma_wait3A_240, %dma_wait3A_241] : memref<2621440x32xf32, #tpu.memory_space<hbm>> -> memref<2621440x32xf32, #tpu.memory_space<hbm>>
      tpu.wait_indirect_dma semaphore(%arg9 : memref<!tpu.dma_semaphore, #tpu.memory_space<semaphore_mem>>) src(%dma_wait3A_242 : memref<2621440x32xf32, #tpu.memory_space<hbm>>) dst(%dma_wait3A_236 : memref<128x32xf32, #tpu.memory_space<vmem>>)
      %dma_wait3A_243 = arith.constant 896 : i32
      %dma_wait3A_244 = arith.constant 0 : i32
      %dma_wait3A_245 = tpu.memref_slice %arg8[%dma_wait3A_243, %dma_wait3A_244] : memref<1664x32xf32, #tpu.memory_space<vmem>> -> memref<128x32xf32, #tpu.memory_space<vmem>>
      %dma_wait3A_246 = arith.constant 0 : i32
      %dma_wait3A_247 = tpu.memref_slice %arg6[%add3A_106, %dma_wait3A_246] : memref<104x128xi32, #tpu.memory_space<vmem>> -> memref<1x128xi32, #tpu.memory_space<vmem>>
      %dma_wait3A_248 = tpu.memref_squeeze %dma_wait3A_247 : memref<1x128xi32, #tpu.memory_space<vmem>> -> memref<128xi32, #tpu.memory_space<vmem>>
      %dma_wait3A_249 = arith.constant 0 : i32
      %dma_wait3A_250 = arith.constant 0 : i32
      %dma_wait3A_251 = tpu.memref_slice %arg4[%dma_wait3A_249, %dma_wait3A_250] : memref<2621440x32xf32, #tpu.memory_space<hbm>> -> memref<2621440x32xf32, #tpu.memory_space<hbm>>
      tpu.wait_indirect_dma semaphore(%arg9 : memref<!tpu.dma_semaphore, #tpu.memory_space<semaphore_mem>>) src(%dma_wait3A_251 : memref<2621440x32xf32, #tpu.memory_space<hbm>>) dst(%dma_wait3A_245 : memref<128x32xf32, #tpu.memory_space<vmem>>)
      %dma_wait3A_252 = arith.constant 1024 : i32
      %dma_wait3A_253 = arith.constant 0 : i32
      %dma_wait3A_254 = tpu.memref_slice %arg8[%dma_wait3A_252, %dma_wait3A_253] : memref<1664x32xf32, #tpu.memory_space<vmem>> -> memref<128x32xf32, #tpu.memory_space<vmem>>
      %dma_wait3A_255 = arith.constant 0 : i32
      %dma_wait3A_256 = tpu.memref_slice %arg6[%add3A_119, %dma_wait3A_255] : memref<104x128xi32, #tpu.memory_space<vmem>> -> memref<1x128xi32, #tpu.memory_space<vmem>>
      %dma_wait3A_257 = tpu.memref_squeeze %dma_wait3A_256 : memref<1x128xi32, #tpu.memory_space<vmem>> -> memref<128xi32, #tpu.memory_space<vmem>>
      %dma_wait3A_258 = arith.constant 0 : i32
      %dma_wait3A_259 = arith.constant 0 : i32
      %dma_wait3A_260 = tpu.memref_slice %arg4[%dma_wait3A_258, %dma_wait3A_259] : memref<2621440x32xf32, #tpu.memory_space<hbm>> -> memref<2621440x32xf32, #tpu.memory_space<hbm>>
      tpu.wait_indirect_dma semaphore(%arg9 : memref<!tpu.dma_semaphore, #tpu.memory_space<semaphore_mem>>) src(%dma_wait3A_260 : memref<2621440x32xf32, #tpu.memory_space<hbm>>) dst(%dma_wait3A_254 : memref<128x32xf32, #tpu.memory_space<vmem>>)
      %dma_wait3A_261 = arith.constant 1152 : i32
      %dma_wait3A_262 = arith.constant 0 : i32
      %dma_wait3A_263 = tpu.memref_slice %arg8[%dma_wait3A_261, %dma_wait3A_262] : memref<1664x32xf32, #tpu.memory_space<vmem>> -> memref<128x32xf32, #tpu.memory_space<vmem>>
      %dma_wait3A_264 = arith.constant 0 : i32
      %dma_wait3A_265 = tpu.memref_slice %arg6[%add3A_132, %dma_wait3A_264] : memref<104x128xi32, #tpu.memory_space<vmem>> -> memref<1x128xi32, #tpu.memory_space<vmem>>
      %dma_wait3A_266 = tpu.memref_squeeze %dma_wait3A_265 : memref<1x128xi32, #tpu.memory_space<vmem>> -> memref<128xi32, #tpu.memory_space<vmem>>
      %dma_wait3A_267 = arith.constant 0 : i32
      %dma_wait3A_268 = arith.constant 0 : i32
      %dma_wait3A_269 = tpu.memref_slice %arg4[%dma_wait3A_267, %dma_wait3A_268] : memref<2621440x32xf32, #tpu.memory_space<hbm>> -> memref<2621440x32xf32, #tpu.memory_space<hbm>>
      tpu.wait_indirect_dma semaphore(%arg9 : memref<!tpu.dma_semaphore, #tpu.memory_space<semaphore_mem>>) src(%dma_wait3A_269 : memref<2621440x32xf32, #tpu.memory_space<hbm>>) dst(%dma_wait3A_263 : memref<128x32xf32, #tpu.memory_space<vmem>>)
      %dma_wait3A_270 = arith.constant 1280 : i32
      %dma_wait3A_271 = arith.constant 0 : i32
      %dma_wait3A_272 = tpu.memref_slice %arg8[%dma_wait3A_270, %dma_wait3A_271] : memref<1664x32xf32, #tpu.memory_space<vmem>> -> memref<128x32xf32, #tpu.memory_space<vmem>>
      %dma_wait3A_273 = arith.constant 0 : i32
      %dma_wait3A_274 = tpu.memref_slice %arg6[%add3A_145, %dma_wait3A_273] : memref<104x128xi32, #tpu.memory_space<vmem>> -> memref<1x128xi32, #tpu.memory_space<vmem>>
      %dma_wait3A_275 = tpu.memref_squeeze %dma_wait3A_274 : memref<1x128xi32, #tpu.memory_space<vmem>> -> memref<128xi32, #tpu.memory_space<vmem>>
      %dma_wait3A_276 = arith.constant 0 : i32
      %dma_wait3A_277 = arith.constant 0 : i32
      %dma_wait3A_278 = tpu.memref_slice %arg4[%dma_wait3A_276, %dma_wait3A_277] : memref<2621440x32xf32, #tpu.memory_space<hbm>> -> memref<2621440x32xf32, #tpu.memory_space<hbm>>
      tpu.wait_indirect_dma semaphore(%arg9 : memref<!tpu.dma_semaphore, #tpu.memory_space<semaphore_mem>>) src(%dma_wait3A_278 : memref<2621440x32xf32, #tpu.memory_space<hbm>>) dst(%dma_wait3A_272 : memref<128x32xf32, #tpu.memory_space<vmem>>)
      %dma_wait3A_279 = arith.constant 1408 : i32
      %dma_wait3A_280 = arith.constant 0 : i32
      %dma_wait3A_281 = tpu.memref_slice %arg8[%dma_wait3A_279, %dma_wait3A_280] : memref<1664x32xf32, #tpu.memory_space<vmem>> -> memref<128x32xf32, #tpu.memory_space<vmem>>
      %dma_wait3A_282 = arith.constant 0 : i32
      %dma_wait3A_283 = tpu.memref_slice %arg6[%add3A_158, %dma_wait3A_282] : memref<104x128xi32, #tpu.memory_space<vmem>> -> memref<1x128xi32, #tpu.memory_space<vmem>>
      %dma_wait3A_284 = tpu.memref_squeeze %dma_wait3A_283 : memref<1x128xi32, #tpu.memory_space<vmem>> -> memref<128xi32, #tpu.memory_space<vmem>>
      %dma_wait3A_285 = arith.constant 0 : i32
      %dma_wait3A_286 = arith.constant 0 : i32
      %dma_wait3A_287 = tpu.memref_slice %arg4[%dma_wait3A_285, %dma_wait3A_286] : memref<2621440x32xf32, #tpu.memory_space<hbm>> -> memref<2621440x32xf32, #tpu.memory_space<hbm>>
      tpu.wait_indirect_dma semaphore(%arg9 : memref<!tpu.dma_semaphore, #tpu.memory_space<semaphore_mem>>) src(%dma_wait3A_287 : memref<2621440x32xf32, #tpu.memory_space<hbm>>) dst(%dma_wait3A_281 : memref<128x32xf32, #tpu.memory_space<vmem>>)
      %dma_wait3A_288 = arith.constant 1536 : i32
      %dma_wait3A_289 = arith.constant 0 : i32
      %dma_wait3A_290 = tpu.memref_slice %arg8[%dma_wait3A_288, %dma_wait3A_289] : memref<1664x32xf32, #tpu.memory_space<vmem>> -> memref<128x32xf32, #tpu.memory_space<vmem>>
      %dma_wait3A_291 = arith.constant 0 : i32
      %dma_wait3A_292 = tpu.memref_slice %arg6[%add3A_171, %dma_wait3A_291] : memref<104x128xi32, #tpu.memory_space<vmem>> -> memref<1x128xi32, #tpu.memory_space<vmem>>
      %dma_wait3A_293 = tpu.memref_squeeze %dma_wait3A_292 : memref<1x128xi32, #tpu.memory_space<vmem>> -> memref<128xi32, #tpu.memory_space<vmem>>
      %dma_wait3A_294 = arith.constant 0 : i32
      %dma_wait3A_295 = arith.constant 0 : i32
      %dma_wait3A_296 = tpu.memref_slice %arg4[%dma_wait3A_294, %dma_wait3A_295] : memref<2621440x32xf32, #tpu.memory_space<hbm>> -> memref<2621440x32xf32, #tpu.memory_space<hbm>>
      tpu.wait_indirect_dma semaphore(%arg9 : memref<!tpu.dma_semaphore, #tpu.memory_space<semaphore_mem>>) src(%dma_wait3A_296 : memref<2621440x32xf32, #tpu.memory_space<hbm>>) dst(%dma_wait3A_290 : memref<128x32xf32, #tpu.memory_space<vmem>>)
      %mul3A_297 = arith.constant 13312 : i32
      %mul3A_298 = arith.muli %add3A, %mul3A_297 : i32
      %mul3A_299 = arith.constant 1664 : i32
      %mul3A_300 = arith.muli %scan3A_12, %mul3A_299 : i32
      %add3A_301 = arith.addi %mul3A_298, %mul3A_300 : i32
      "tpu.region"() ({
        %run_scoped3A = tpu.sem_alloc : memref<!tpu.dma_semaphore, #tpu.memory_space<semaphore_mem>>
        %dma_start3A_302 = arith.constant 0 : i32
        %dma_start3A_303 = tpu.memref_slice %arg5[%add3A_301, %dma_start3A_302] : memref<425984x32xf32, #tpu.memory_space<hbm>> -> memref<1664x32xf32, #tpu.memory_space<hbm>>
        %dma_start3A_304 = arith.constant 0 : i32
        %dma_start3A_305 = tpu.memref_slice %arg5[%add3A_301, %dma_start3A_304] : memref<425984x32xf32, #tpu.memory_space<hbm>> -> memref<1664x32xf32, #tpu.memory_space<hbm>>
        tpu.enqueue_dma source(%arg8 : memref<1664x32xf32, #tpu.memory_space<vmem>>) target(%dma_start3A_305 : memref<1664x32xf32, #tpu.memory_space<hbm>>) target_semaphore(%run_scoped3A : memref<!tpu.dma_semaphore, #tpu.memory_space<semaphore_mem>>)
        %dma_wait3A_306 = arith.constant 0 : i32
        %dma_wait3A_307 = tpu.memref_slice %arg5[%add3A_301, %dma_wait3A_306] : memref<425984x32xf32, #tpu.memory_space<hbm>> -> memref<1664x32xf32, #tpu.memory_space<hbm>>
        %dma_wait3A_308 = arith.constant 0 : i32
        %dma_wait3A_309 = tpu.memref_slice %arg5[%add3A_301, %dma_wait3A_308] : memref<425984x32xf32, #tpu.memory_space<hbm>> -> memref<1664x32xf32, #tpu.memory_space<hbm>>
        tpu.wait_dma2 semaphore(%run_scoped3A : memref<!tpu.dma_semaphore, #tpu.memory_space<semaphore_mem>>) src(%arg8 : memref<1664x32xf32, #tpu.memory_space<vmem>>) dst(%dma_wait3A_309 : memref<1664x32xf32, #tpu.memory_space<hbm>>)
        tpu.yield
      }) : () -> ()
    }
    %scan3A_11 = arith.constant 8 : i32
    return
  }
}

module attributes {stable_mosaic.version = 14 : i64} {
  func.func @_tr_body(%arg0: i32, %arg1: memref<32x65536xf32, #tpu.memory_space<vmem>>, %arg2: memref<16384x128xf32, #tpu.memory_space<vmem>>) attributes {dimension_semantics = [#tpu.dimension_semantics<arbitrary>], iteration_bounds = array<i64: 40>, scalar_prefetch = 0 : i64, scratch_operands = 0 : i64, tpu.core_type = #tpu.core_type<tc>, window_params = [{transform_indices = @transform_0, window_bounds = array<i64: 32, 65536>}, {transform_indices = @transform_1, window_bounds = array<i64: 16384, 128>}]} {
    %get3A = arith.constant 0 : index
    %get3A_0 = arith.constant 0 : index
    %get3A_1 = vector.load %arg1[%get3A, %get3A_0] : memref<32x65536xf32, #tpu.memory_space<vmem>>, vector<32x16384xf32>
    %convert_element_type3A = arith.truncf %get3A_1 : vector<32x16384xf32> to vector<32x16384xbf16>
    %iota3A = tpu.iota {dimensions = array<i32: 0>} : vector<32x128xi32>
    %iota3A_2 = tpu.iota {dimensions = array<i32: 1>} : vector<32x128xi32>
    %add3A = arith.constant 0 : i32
    %add3A_3 = vector.broadcast %add3A : i32 to vector<32x128xi32>
    %add3A_4 = arith.addi %iota3A, %add3A_3 : vector<32x128xi32>
    %eq3A = arith.cmpi eq, %iota3A_2, %add3A_4 : vector<32x128xi32>
    %convert_element_type3A_5 = arith.extui %eq3A : vector<32x128xi1> to vector<32x128xi32>
    %convert_element_type3A_6 = arith.sitofp %convert_element_type3A_5 : vector<32x128xi32> to vector<32x128xf32>
    %convert_element_type3A_7 = arith.truncf %convert_element_type3A_6 : vector<32x128xf32> to vector<32x128xbf16>
    %dot_general3A = arith.constant dense<0.000000e+00> : vector<16384x128xf32>
    %dot_general3A_8 = tpu.matmul %convert_element_type3A, %convert_element_type3A_7, %dot_general3A {dimension_numbers = #tpu.dot_dimension_numbers<[0], [0], [1], [1], [0, 1, 1, 1], [], []>, transpose_lhs_hint = false} : vector<32x16384xbf16>, vector<32x128xbf16>, vector<16384x128xf32> -> vector<16384x128xf32>
    %get3A_9 = arith.constant 0 : index
    %get3A_10 = arith.constant 16384 : index
    %get3A_11 = vector.load %arg1[%get3A_9, %get3A_10] : memref<32x65536xf32, #tpu.memory_space<vmem>>, vector<32x16384xf32>
    %convert_element_type3A_12 = arith.truncf %get3A_11 : vector<32x16384xf32> to vector<32x16384xbf16>
    %iota3A_13 = tpu.iota {dimensions = array<i32: 0>} : vector<32x128xi32>
    %iota3A_14 = tpu.iota {dimensions = array<i32: 1>} : vector<32x128xi32>
    %add3A_15 = arith.constant 32 : i32
    %add3A_16 = vector.broadcast %add3A_15 : i32 to vector<32x128xi32>
    %add3A_17 = arith.addi %iota3A_13, %add3A_16 : vector<32x128xi32>
    %eq3A_18 = arith.cmpi eq, %iota3A_14, %add3A_17 : vector<32x128xi32>
    %convert_element_type3A_19 = arith.extui %eq3A_18 : vector<32x128xi1> to vector<32x128xi32>
    %convert_element_type3A_20 = arith.sitofp %convert_element_type3A_19 : vector<32x128xi32> to vector<32x128xf32>
    %convert_element_type3A_21 = arith.truncf %convert_element_type3A_20 : vector<32x128xf32> to vector<32x128xbf16>
    %dot_general3A_22 = arith.constant dense<0.000000e+00> : vector<16384x128xf32>
    %dot_general3A_23 = tpu.matmul %convert_element_type3A_12, %convert_element_type3A_21, %dot_general3A_22 {dimension_numbers = #tpu.dot_dimension_numbers<[0], [0], [1], [1], [0, 1, 1, 1], [], []>, transpose_lhs_hint = false} : vector<32x16384xbf16>, vector<32x128xbf16>, vector<16384x128xf32> -> vector<16384x128xf32>
    %add3A_24 = arith.addf %dot_general3A_8, %dot_general3A_23 : vector<16384x128xf32>
    %get3A_25 = arith.constant 0 : index
    %get3A_26 = arith.constant 32768 : index
    %get3A_27 = vector.load %arg1[%get3A_25, %get3A_26] : memref<32x65536xf32, #tpu.memory_space<vmem>>, vector<32x16384xf32>
    %convert_element_type3A_28 = arith.truncf %get3A_27 : vector<32x16384xf32> to vector<32x16384xbf16>
    %iota3A_29 = tpu.iota {dimensions = array<i32: 0>} : vector<32x128xi32>
    %iota3A_30 = tpu.iota {dimensions = array<i32: 1>} : vector<32x128xi32>
    %add3A_31 = arith.constant 64 : i32
    %add3A_32 = vector.broadcast %add3A_31 : i32 to vector<32x128xi32>
    %add3A_33 = arith.addi %iota3A_29, %add3A_32 : vector<32x128xi32>
    %eq3A_34 = arith.cmpi eq, %iota3A_30, %add3A_33 : vector<32x128xi32>
    %convert_element_type3A_35 = arith.extui %eq3A_34 : vector<32x128xi1> to vector<32x128xi32>
    %convert_element_type3A_36 = arith.sitofp %convert_element_type3A_35 : vector<32x128xi32> to vector<32x128xf32>
    %convert_element_type3A_37 = arith.truncf %convert_element_type3A_36 : vector<32x128xf32> to vector<32x128xbf16>
    %dot_general3A_38 = arith.constant dense<0.000000e+00> : vector<16384x128xf32>
    %dot_general3A_39 = tpu.matmul %convert_element_type3A_28, %convert_element_type3A_37, %dot_general3A_38 {dimension_numbers = #tpu.dot_dimension_numbers<[0], [0], [1], [1], [0, 1, 1, 1], [], []>, transpose_lhs_hint = false} : vector<32x16384xbf16>, vector<32x128xbf16>, vector<16384x128xf32> -> vector<16384x128xf32>
    %add3A_40 = arith.addf %add3A_24, %dot_general3A_39 : vector<16384x128xf32>
    %get3A_41 = arith.constant 0 : index
    %get3A_42 = arith.constant 49152 : index
    %get3A_43 = vector.load %arg1[%get3A_41, %get3A_42] : memref<32x65536xf32, #tpu.memory_space<vmem>>, vector<32x16384xf32>
    %convert_element_type3A_44 = arith.truncf %get3A_43 : vector<32x16384xf32> to vector<32x16384xbf16>
    %iota3A_45 = tpu.iota {dimensions = array<i32: 0>} : vector<32x128xi32>
    %iota3A_46 = tpu.iota {dimensions = array<i32: 1>} : vector<32x128xi32>
    %add3A_47 = arith.constant 96 : i32
    %add3A_48 = vector.broadcast %add3A_47 : i32 to vector<32x128xi32>
    %add3A_49 = arith.addi %iota3A_45, %add3A_48 : vector<32x128xi32>
    %eq3A_50 = arith.cmpi eq, %iota3A_46, %add3A_49 : vector<32x128xi32>
    %convert_element_type3A_51 = arith.extui %eq3A_50 : vector<32x128xi1> to vector<32x128xi32>
    %convert_element_type3A_52 = arith.sitofp %convert_element_type3A_51 : vector<32x128xi32> to vector<32x128xf32>
    %convert_element_type3A_53 = arith.truncf %convert_element_type3A_52 : vector<32x128xf32> to vector<32x128xbf16>
    %dot_general3A_54 = arith.constant dense<0.000000e+00> : vector<16384x128xf32>
    %dot_general3A_55 = tpu.matmul %convert_element_type3A_44, %convert_element_type3A_53, %dot_general3A_54 {dimension_numbers = #tpu.dot_dimension_numbers<[0], [0], [1], [1], [0, 1, 1, 1], [], []>, transpose_lhs_hint = false} : vector<32x16384xbf16>, vector<32x128xbf16>, vector<16384x128xf32> -> vector<16384x128xf32>
    %add3A_56 = arith.addf %add3A_40, %dot_general3A_55 : vector<16384x128xf32>
    %swap3A = arith.constant 0 : index
    %swap3A_57 = arith.constant 0 : index
    %swap3A_58 = vector.load %arg2[%swap3A, %swap3A_57] : memref<16384x128xf32, #tpu.memory_space<vmem>>, vector<16384x128xf32>
    tpu.vector_store %arg2[%swap3A, %swap3A_57], %add3A_56 {strides = array<i32>} : memref<16384x128xf32, #tpu.memory_space<vmem>>, vector<16384x128xf32>,
    return
  }
  func.func @transform_0(%arg0: i32) -> (i32, i32) {
    %c0_i32 = arith.constant 0 : i32
    %c0_i32_0 = arith.constant 0 : i32
    return %c0_i32, %arg0 : i32, i32
  }
  func.func @transform_1(%arg0: i32) -> (i32, i32) {
    %c0_i32 = arith.constant 0 : i32
    %c0_i32_0 = arith.constant 0 : i32
    return %arg0, %c0_i32 : i32, i32
  }
}

</mosaic_0001>

<sc_bundles>
// kernel: kernel.4.cloned.1.call-start
scs
__scs_entry_jumppad:
0x0: {  	(pc) =	sbr.rel $0x88, $3  }
0x1: {  	(tag) =	ssettag $0x0;
	lr =	simm.s32 $0x1  }
0x2: {  	[smem:$0x3F9E] =	sst lr;
	_ =	strace $0xD0000000  }
0x3: {  	_ = 	snop  }
0x4: {  	_ = 	snop  }
0x5: {  	_ = 	snop  }
0x6: {  	_ = 	snop  }
0x7: {  	_ = 	snop  }
__scs_overlays_trampoline_lowered:
0x8: {  	[smem:$0x3FAD] =	sst s0  }
0x9: {  	[smem:$0x3FAE] =	sst s1  }
0xa: {  	[smem:$0x3FAF] =	sst s2  }
0xb: {  	[smem:$0x3FB0] =	sst s3  }
0xc: {  	[smem:$0x3FB1] =	sst s4  }
0xd: {  	[smem:$0x3FB2] =	sst s5  }
0xe: {  	[smem:$0x3FB3] =	sst s6  }
0xf: {  	[smem:$0x3FB4] =	sst s7  }
0x10: {  	[smem:$0x3FB5] =	sst s8  }
0x11: {  	[smem:$0x3FB6] =	sst s9;
	s0 =	simm.s32 @!p0 $0x0  }
0x12: {  	s1 =	sld [smem:$0x3F9C];
	s0 =	simm.s32 @p0 $0x1  }
0x13: {  	[smem:$0x3FB7] =	sst s0;
	s0 =	simm.s32 @!p1 $0x0  }
0x14: {  	s2 =	sld [smem:$0x3F9B];
	s0 =	simm.s32 @p1 $0x1  }
0x15: {  	[smem:$0x3FB8] =	sst s0;
	s0 =	simm.s32 @!p2 $0x0  }
0x16: {  	s3 =	sld [smem:$0x3FDB];
	s0 =	simm.s32 @p2 $0x1  }
0x17: {  	s4 =	simm.s32 $0x1BF5;
	[smem:$0x3FBA] =	sst s0  }
0x18: {  	s0 =	sld [smem:$0x3F9D];
	_ =	swait.ge [sflag:s4], $0x0  }
0x19: {  	s7 =	sld [smem:$0x3F9E]  }
0x1a: {  	s8 =	sadd.s32 $0xFFFFE003, lr  }
0x1b: {  	s9 =	sadd.s32 $0xFFFFFEF7, lr;
	s5 =	simm.s32 $0xFFFFFFFF;
	p2 =	slt.u32 s8, $0xFFFFF086  }
0x1c: {  	p1 =	slt.u32 s9, $0xF7A;
	s5 =	simm.s32 @!p2 $0x0  }
0x1d: {  	s5 =	simm.s32 @p1 $0x1;
	p0 =	seq.s32 s7, s2  }
0x1e: {  	s7 =	smul.u32 @!p0 $0xF7A, s2;
	p2 =	seq.s32 @!p0 s5, $0x0  }
0x1f: {  	s9 =	smul.u32 $0xF7A, s1;
	s8 =	simm.s32 @!p0 $0x1BF5;
	p2 =	por !p2, p0  }
0x20: {  	[sflag:s8] =	ssyncset.s32 @!p0 $0xFFFFF086;
	s6 =	sadd.s32 @!p0 s3, s7;
	s7 =	simm.s32 @!p0 $0x108  }
0x21: {  	s3 =	sadd.s32 s3, s9;
	s6 =	sadd.s32 @!p0 $0x88, s6;
	s7 =	simm.s32 @p2 $0x1082  }
0x22: {  	[simem:s7], [sflag:s8] =	dma.local @!p0 [hbm:s6], $0xF7A  }
0x23: {  	s9 =	sor.u32 $0xD0000000, s2;
	s6 =	simm.s32 $0x108;
	_ =	swait.ge @!p0 [sflag:s8], $0x0  }
0x24: {  	s3 =	sadd.s32 $0x88, s3;
	s6 =	simm.s32 @!p1 $0x1082;
	[sflag:s4] =	ssyncset.s32 $0xFFFFF086  }
0x25: {  	[simem:s6], [sflag:s4] =	dma.local [hbm:s3], $0xF7A  }
0x26: {  	[smem:$0x3F9E] =	sst s1;
	(tag) =	ssettag s2;
	_ =	strace s9  }
0x27: {  	s1 =	sld [smem:$0x3FAE]  }
0x28: {  	s2 =	sld [smem:$0x3FAF]  }
0x29: {  	s4 =	sld [smem:$0x3FB1]  }
0x2a: {  	p0 =	seq.s32 s5, $0x0;
	s5 =	sld [smem:$0x3FB2]  }
0x2b: {  	s6 =	sld [smem:$0x3FB3]  }
0x2c: {  	s7 =	sld [smem:$0x3FB4]  }
0x2d: {  	s3 =	simm.s32 $0x108;
	s8 =	sld [smem:$0x3FB5]  }
0x2e: {  	s3 =	simm.s32 @!p0 $0x1082;
	s9 =	sld [smem:$0x3FB6]  }
0x2f: {  	lr =	sadd.s32 s0, s3;
	s0 =	sld [smem:$0x3FAD]  }
0x30: {  	s3 =	sld [smem:$0x3FB0]  }
0x31: {  	[smem:$0x3FB9] =	sst s10  }
0x32: {  	s10 =	sld [smem:$0x3FB7];
	_ =	sdelay $0x3  }
0x33: {  	p0 =	seq.s32 s10, $0x1;
	s10 =	sld [smem:$0x3FB9];
	_ =	sdelay $0x3  }
0x34: {  	[smem:$0x3FB9] =	sst s10  }
0x35: {  	s10 =	sld [smem:$0x3FB8];
	_ =	sdelay $0x3  }
0x36: {  	p1 =	seq.s32 s10, $0x1;
	s10 =	sld [smem:$0x3FB9];
	_ =	sdelay $0x3  }
0x37: {  	[smem:$0x3FB9] =	sst s10  }
0x38: {  	s10 =	sld [smem:$0x3FBA]  }
0x39: {  	_ = 	snop;
	(pc) =	sbr.ind lr, $3  }
0x3a: {  	_ = 	snop  }
0x3b: {  	_ = 	snop  }
0x3c: {  	p2 =	seq.s32 s10, $0x1;
	s10 =	sld [smem:$0x3FB9]  }
0x3d: {  	_ =	shalt  }
0x3e: {  	_ =	shalt  }
0x3f: {  	_ =	shalt  }
0x40: {  	_ =	shalt  }
0x41: {  	_ =	shalt  }
0x42: {  	_ =	shalt  }
0x43: {  	_ =	shalt  }
0x44: {  	_ =	shalt  }
0x45: {  	_ =	shalt  }
0x46: {  	_ =	shalt  }
0x47: {  	_ =	shalt  }
0x48: {  	_ =	shalt  }
0x49: {  	_ =	shalt  }
0x4a: {  	_ =	shalt  }
0x4b: {  	_ =	shalt  }
0x4c: {  	_ =	shalt  }
0x4d: {  	_ =	shalt  }
0x4e: {  	_ =	shalt  }
0x4f: {  	_ =	shalt  }
0x50: {  	_ =	shalt  }
0x51: {  	_ =	shalt  }
0x52: {  	_ =	shalt  }
0x53: {  	_ =	shalt  }
0x54: {  	_ =	shalt  }
0x55: {  	_ =	shalt  }
0x56: {  	_ =	shalt  }
0x57: {  	_ =	shalt  }
0x58: {  	_ =	shalt  }
0x59: {  	_ =	shalt  }
0x5a: {  	_ =	shalt  }
0x5b: {  	_ =	shalt  }
0x5c: {  	_ =	shalt  }
0x5d: {  	_ =	shalt  }
0x5e: {  	_ =	shalt  }
0x5f: {  	_ =	shalt  }
0x60: {  	_ =	shalt  }
0x61: {  	_ =	shalt  }
0x62: {  	_ =	shalt  }
0x63: {  	_ =	shalt  }
0x64: {  	_ =	shalt  }
0x65: {  	_ =	shalt  }
0x66: {  	_ =	shalt  }
0x67: {  	_ =	shalt  }
0x68: {  	_ =	shalt  }
0x69: {  	_ =	shalt  }
0x6a: {  	_ =	shalt  }
0x6b: {  	_ =	shalt  }
0x6c: {  	_ =	shalt  }
0x6d: {  	_ =	shalt  }
0x6e: {  	_ =	shalt  }
0x6f: {  	_ =	shalt  }
0x70: {  	_ =	shalt  }
0x71: {  	_ =	shalt  }
0x72: {  	_ =	shalt  }
0x73: {  	_ =	shalt  }
0x74: {  	_ =	shalt  }
0x75: {  	_ =	shalt  }
0x76: {  	_ =	shalt  }
0x77: {  	_ =	shalt  }
0x78: {  	_ =	shalt  }
0x79: {  	_ =	shalt  }
0x7a: {  	_ =	shalt  }
0x7b: {  	_ =	shalt  }
0x7c: {  	_ =	shalt  }
0x7d: {  	_ =	shalt  }
0x7e: {  	_ =	shalt  }
0x7f: {  	_ =	shalt  }
0x80: {  	_ =	shalt  }
0x81: {  	_ =	shalt  }
0x82: {  	_ =	shalt  }
0x83: {  	_ =	shalt  }
0x84: {  	_ =	shalt  }
0x85: {  	_ =	shalt  }
0x86: {  	_ =	shalt  }
0x87: {  	_ =	shalt  }
.Lfunc_end0:
.L_simem_size_0:
called_computation.1_lowered:
.L_overlay_start_0:
0x88: {  	s2 =	sld [smem:$0x3FD9]  }
0x89: {  	s3 =	sld [smem:$0x3FFE];
	_ =	sdelay $0x1  }
0x8a: {  	s1 =	srdreg.scid  }
0x8b: {  	s0 =	sand.u32 $0x1, s1  }
0x8c: {  	s17 =	sshll.u32 s0, $0xA;
	s2 =	sadd.s32 s3, s2  }
0x8d: {  	s2 =	sadd.s32 s2, s17  }
0x8e: {  	[smem:$0x3FC5] =	sst s2  }
0x8f: {  	_ = 	snop  }
0x90: {  	s2 =	sld [smem:$0x3FD0];
	(tm) =	ssettm $0x1  }
0x91: {  	s18 =	sld [smem:$0x3FFB];
	_ =	sdelay $0x3  }
0x92: {  	_ =	strace s18  }
0x93: {  	s3 =	sld [smem:$0x3FFC];
	_ =	sdelay $0x3  }
0x94: {  	_ =	strace s3  }
0x95: {  	s3 =	sld [smem:$0x3FFD];
	_ =	sdelay $0x3  }
0x96: {  	_ =	strace s3  }
0x97: {  	_ =	strace $0x8FFFFFFF  }
0x98: {  	s19 =	sld [smem:$0x3FDB];
	_ =	sdelay $0x1  }
0x99: {  	s4 =	simm.s32 $_scs_section_size  }
0x9a: {  	s5 =	simm.s32 $_size__tile_overlayer_lowered;
	s6 =	simm.s32 $_tile_overlayer_lowered  }
0x9b: {  	s22 =	simm.s32 $0x1BFF;
	s21 =	sshll.u32 s6, $0x1;
	s3 =	sadd.s32 s4, s19  }
0x9c: {  	s7 =	simm.s32 $0x0;
	s20 =	sshll.u32 s5, $0x1;
	s5 =	sadd.s32 s21, s3  }
0x9d: {  	[timem:s7], [sflag:s22] =	dma.local [hbm:s5], s20  }
0x9e: {  	_ =	swait.ge [sflag:s22], s20  }
0x9f: {  	s4 =	ssub.s32 $0x0, s20;
	[sflag:s22] =	ssyncset.done $0x0  }
0xa0: {  	[sflag:s22] =	ssyncadd.s32 s4;
	_ =	sdelay $0x1  }
0xa1: {  	s23 =	simm.s32 $0x1B8B  }
0xa2: {  	_ =	swait.ge [sflag:s23], $0x1  }
0xa3: {  	[sflag:s23] =	ssyncset.done $0x0  }
0xa4: {  	s25 =	simm.s32 $0x1B8E;
	s24 =	sld [smem:$0x3FFE];
	[sflag:s23] =	ssyncadd.s32 $0xFFFFFFFF  }
0xa5: {  	s26 =	simm.s32 $execute0_lowered;
	[smem:$0x3FD2] =	sst s25  }
0xa6: {  	s5 =	sshll.u32 s26, $0x1;
	_ =	strace $0x80000046;
	[dreg:$0x1] =	wrdreg $0xFFFFFFFF  }
0xa7: {  	s28 =	simm.s32 $_size_execute0_lowered;
	s3 =	sadd.s32 s3, s5;
	[dreg:$0x0] =	wrdreg $0x0  }
0xa8: {  	s5 =	sshll.u32 s28, $0x1;
	[dreg:$0x2] =	wrdreg s3  }
0xa9: {  	[dreg:$0x3] =	wrdreg s5  }
0xaa: {  	[dreg:$0x4] =	wrdreg $0xC0  }
0xab: {  	_ =	task [dreg:s7], $0x5FFFF  }
0xac: {  	[dreg:$0x1] =	wrdreg $0xFFFFFFFF  }
0xad: {  	[dreg:$0x0] =	wrdreg $0x60  }
0xae: {  	[dreg:$0x2] =	wrdreg s24  }
0xaf: {  	[dreg:$0x3] =	wrdreg s2  }
0xb0: {  	[dreg:$0x4] =	wrdreg $0x9  }
0xb1: {  	_ =	task.clear_ibuf [dreg:s7], $0x5FFFF;
	_ =	strace $0x90000046  }
0xb2: {  	s29 =	simm.s32 $0x9;
	_ =	strace $0x80000048  }
0xb3: {  	_ =	swait.ge [sflag:s29], $0x1  }
0xb4: {  	[sflag:s29] =	ssyncadd.s32 $0xFFFFFFFF  }
0xb5: {  	_ =	strace $0x90000048  }
0xb6: {  	_ =	sfence  }
0xb7: {  	s30 =	sld [smem:$0x0];
	_ =	sdelay $0x2  }
0xb8: {  	s31 =	sshll.u32 s1, $0xD;
	s1 =	sshrl.u32 s1, $0x2  }
0xb9: {  	s3 =	sand.u32 $0x4000, s31;
	s1 =	sadd.s32 s1, s30  }
0xba: {  	s0 =	sor.u32 s3, s0;
	s1 =	sshll.u32 s1, $0x11  }
0xbb: {  	s0 =	sor.u32 s1, s0  }
0xbc: {  	s0 =	sadd.s32 $0x8F2B, s0  }
0xbd: {  	[sflag:s0] =	ssyncadd.remote.s32 $0x1  }
0xbe: {  	_ =	sfence.sel $0xFFFF  }
0xbf: {  	[dreg:$0x0] =	wrdreg $0xFFFFFFFF;
	(pc) =	sbr.abs _section_cstart, $3  }
0xc0: {  	[dreg:$0x1] =	wrdreg $0xFFFFFFFF  }
0xc1: {  	_ =	task.clear_ibuf [dreg:s7], $0x2FFFF;
	_ =	strace $0x9FFFFFFF  }
0xc2: {  	(tm) =	ssettm $0x7FFFFFFF  }
0xc3: {  	_ =	shalt  }
tec
execute0_lowered:
.L_overlay_start_1:
0x0: {  	(tag) =	ssettag $0x1  }
0x1: {  	s1 =	srdreg.scid;
	s2 =	rddreg [dreg:$0x0]  }
0x2: {  	s0 =	stileid.u32;
	s5 =	rddreg [dreg:$0x1];
	s3 =	simm.s32 $0x0  }
0x3: {  	s11 =	simm.s32 $0x7800;
	s12 =	simm.s32 $0x9800;
	s13 =	simm.s32 $0xA800  }
0x4: {  	s14 =	simm.s32 $0xB800;
	s15 =	simm.s32 $0xC800;
	s16 =	simm.s32 $0xD800  }
0x5: {  	s17 =	simm.s32 $0xE800;
	s18 =	simm.s32 $0xF800;
	s19 =	simm.s32 $0x10800  }
0x6: {  	s20 =	simm.s32 $0x11800;
	s21 =	simm.s32 $0x12800;
	s22 =	simm.s32 $0x1  }
0x7: {  	s23 =	simm.s32 $0x0;
	s4 =	sand.u32 $0x1, s1;
	s1 =	rddreg [dreg:$0x2]  }
0x8: {  	s31 =	sshll.u32 s0, $0x1;
	[smem:$0x7FF] =	sst s3;
	s7 =	smul.u32 $0x1A000, s0  }
0x9: {  	s6 =	sor.u32 s4, s31;
	_ =	strace $0x80000047;
	s8 =	ssub.s32 $0x2, s4  }
0xa: {  	s9 =	smul.u32 $0xD000, s4;
	s4 =	sadd.s32 $0xD800, s2;
	[dreg:$0x4] =	wrdreg s11  }
0xb: {  	s6 =	smul.u32 $0x3400, s6;
	s10 =	sshrl.u32 s8, $0x1;
	s7 =	sadd.s32 s7, s5  }
0xc: {  	s11 =	simm.s32 $0x8800;
	s8 =	ssub.s32 s8, s10;
	s7 =	sadd.s32 s9, s7  }
0xd: {  	s9 =	simm.s32 $0x80;
	s10 =	simm.s32 $0x6800;
	s6 =	sshrl.u32 s6, $0x3  }
0xe: {  	[dreg:$0x3] =	wrdreg s7;
	s7 =	simm.s32 $0x2;
	s6 =	sadd.s32 s6, s2  }
0xf: {  	s5 =	sadd.s32 $0x800, s6;
	s6 =	smax.u32 s8, $0x1;
	s8 =	simm.s32 $0x3400  }
.LBB2_1:
0x10: {  	[tilespmem:s3], [sflag:$0x2] =	stream.linear.gather [hbm4b:s5+s3], $0x3400, $0x38;
	[tilespmem:$0x13800] =	vst v63  }
0x11: {  	_ =	swait.ge [sflag:s7], $0x3400  }
0x12: {  	[sflag:s7] =	ssyncset.done $0x0  }
0x13: {  	[sflag:s7] =	ssyncadd.s32 $0xFFFFCC00  }
0x14: {  	[tilespmem:s8], [sflag:$0x2] =	stream.linear.gather [hbm4b:s2+s3], $0x3400, $0x38;
	[tilespmem:$0x13800] =	vst v63  }
0x15: {  	_ =	swait.ge [sflag:s7], $0x3400  }
0x16: {  	[sflag:s7] =	ssyncset.done $0x0  }
0x17: {  	s24 =	simm.s32 $0x0;
	[sflag:s7] =	ssyncadd.s32 $0xFFFFCC00  }
0x18: {  	v0 =	vld [tilespmem:s24+$0x3400]  }
0x19: {  	v1 =	vld [tilespmem:s24+$0x0]  }
0x1a: {  	v2 =	vld [tilespmem:s24+$0x3410]  }
0x1b: {  	v3 =	vld [tilespmem:s24+$0x10];
	_ =	sdelay $0x2  }
0x1c: {  	v4 =	vld [tilespmem:s24+$0x3420]  }
0x1d: {  	v0 =	vadd.s32 v1, v0;
	v1 =	vld [tilespmem:s24+$0x20]  }
0x1e: {  	v2 =	vadd.s32 v3, v2;
	v6 =	vshll.u32 v0, $0x2  }
0x1f: {  	v7 =	vld [tilespmem:s24+$0x30];
	v5 =	vand.u32 $0xFFFF0000, v0;
	v0 =	vshrl.u32 v0, $0xE;
	v6 =	vand.u32 $0xFFFC, v6  }
0x20: {  	v3 =	vld [tilespmem:s24+$0x3430];
	v8 =	vand.u32 $0xFFFF0000, v2;
	v5 =	vor.u32 v5, v6;
	v6 =	vshll.u32 v2, $0x2  }
0x21: {  	v9 =	vld [tilespmem:s24+$0x3440];
	v0 =	vand.u32 $0x3, v0;
	v2 =	vshrl.u32 v2, $0xE;
	v6 =	vand.u32 $0xFFFC, v6  }
0x22: {  	v2 =	vand.u32 $0x3, v2;
	v6 =	vor.u32 v8, v6;
	v4 =	vadd.s32 v1, v4;
	v8 =	vld [tilespmem:s24+$0x40]  }
0x23: {  	v1 =	vor.u32 v0, v5;
	v0 =	vor.u32 v2, v6;
	v2 =	vshll.u32 v4, $0x2  }
0x24: {  	v5 =	vld [tilespmem:s24+$0x3450];
	v6 =	vand.u32 $0xFFFF0000, v4;
	v4 =	vshrl.u32 v4, $0xE;
	v2 =	vand.u32 $0xFFFC, v2  }
0x25: {  	v3 =	vadd.s32 v7, v3;
	v7 =	vld [tilespmem:s24+$0x50];
	v4 =	vand.u32 $0x3, v4;
	v2 =	vor.u32 v6, v2  }
0x26: {  	v6 =	vand.u32 $0xFFFF0000, v3;
	v2 =	vor.u32 v4, v2;
	v4 =	vshll.u32 v3, $0x2  }
0x27: {  	v3 =	vshrl.u32 v3, $0xE;
	v10 =	vand.u32 $0xFFFC, v4;
	v12 =	vadd.s32 v8, v9;
	v4 =	vld [tilespmem:s24+$0x3460]  }
0x28: {  	v9 =	vand.u32 $0x3, v3;
	v8 =	vor.u32 v6, v10;
	v3 =	vshll.u32 v12, $0x2;
	v6 =	vld [tilespmem:s24+$0x60]  }
0x29: {  	s25 =	simm.s32 $0x200;
	v10 =	vand.u32 $0xFFFF0000, v12;
	v12 =	vshrl.u32 v12, $0xE;
	v11 =	vand.u32 $0xFFFC, v3;
	v3 =	vld [tilespmem:s24+$0x3470]  }
.LBB2_2:
0x2a: {  	p0 =	sne.s32 s25, $0xCE00;
	v10 =	vor.u32 v10, v11;
	v11 =	vand.u32 $0x3, v12;
	v5 =	vadd.s32 v7, v5;
	v7 =	vld [tilespmem:s24+$0x70]  }
0x2b: {  	v8 =	vor.u32 v9, v8;
	v9 =	vor.u32 v11, v10;
	v10 =	vshll.u32 v5, $0x2  }
0x2c: {  	s26 =	sshra.s32 s25, $0x2;
	v11 =	vand.u32 $0xFFFF0000, v5;
	v5 =	vshrl.u32 v5, $0xE;
	v10 =	vand.u32 $0xFFFC, v10  }
0x2d: {  	v5 =	vand.u32 $0x3, v5;
	v12 =	vld [tilespmem:s26+$0x3400];
	[tilespmem:s24+$0x0] =	vst v1;
	v1 =	vor.u32 v11, v10;
	v4 =	vadd.s32 v6, v4  }
0x2e: {  	v6 =	vld [tilespmem:s26+$0x0];
	[tilespmem:s24+$0x10] =	vst v0;
	v0 =	vor.u32 v5, v1;
	v1 =	vand.u32 $0xFFFF0000, v4;
	v5 =	vshll.u32 v4, $0x2  }
0x2f: {  	v4 =	vshrl.u32 v4, $0xE;
	v10 =	vld [tilespmem:s26+$0x3410];
	[tilespmem:s24+$0x20] =	vst v2;
	v2 =	vand.u32 $0xFFFC, v5;
	v3 =	vadd.s32 v7, v3  }
0x30: {  	v5 =	vld [tilespmem:s26+$0x10];
	[tilespmem:s24+$0x30] =	vst v8;
	v1 =	vor.u32 v1, v2;
	v2 =	vand.u32 $0x3, v4;
	v4 =	vshll.u32 v3, $0x2  }
0x31: {  	v7 =	vand.u32 $0xFFFF0000, v3;
	v3 =	vshrl.u32 v3, $0xE;
	[tilespmem:s24+$0x40] =	vst v9;
	v4 =	vand.u32 $0xFFFC, v4  }
0x32: {  	v8 =	vld [tilespmem:s26+$0x3420];
	[tilespmem:s24+$0x50] =	vst v0;
	v0 =	vor.u32 v2, v1;
	v1 =	vor.u32 v7, v4;
	v2 =	vand.u32 $0x3, v3  }
0x33: {  	v3 =	vadd.s32 v6, v12;
	v4 =	vld [tilespmem:s26+$0x20];
	[tilespmem:s24+$0x60] =	vst v0;
	v0 =	vor.u32 v2, v1  }
0x34: {  	v1 =	vand.u32 $0xFFFF0000, v3;
	v2 =	vshll.u32 v3, $0x2;
	[tilespmem:s24+$0x70] =	vst v0;
	s24 =	smov.u32 s26  }
0x35: {  	v0 =	vand.u32 $0xFFFC, v2;
	v2 =	vshrl.u32 v3, $0xE;
	v3 =	vadd.s32 v5, v10;
	v6 =	vld [tilespmem:s24+$0x3430]  }
0x36: {  	v0 =	vor.u32 v1, v0;
	v1 =	vand.u32 $0x3, v2;
	v2 =	vshll.u32 v3, $0x2;
	v7 =	vld [tilespmem:s24+$0x30]  }
0x37: {  	v5 =	vand.u32 $0xFFFF0000, v3;
	v3 =	vshrl.u32 v3, $0xE;
	v2 =	vand.u32 $0xFFFC, v2;
	v9 =	vld [tilespmem:s24+$0x3440]  }
0x38: {  	v3 =	vand.u32 $0x3, v3;
	v2 =	vor.u32 v5, v2;
	v4 =	vadd.s32 v4, v8;
	v8 =	vld [tilespmem:s24+$0x40]  }
0x39: {  	v1 =	vor.u32 v1, v0;
	v0 =	vor.u32 v3, v2;
	v2 =	vshll.u32 v4, $0x2  }
0x3a: {  	v3 =	vand.u32 $0xFFFF0000, v4;
	v4 =	vshrl.u32 v4, $0xE;
	v2 =	vand.u32 $0xFFFC, v2;
	v5 =	vld [tilespmem:s24+$0x3450]  }
.Ltmp0:
0x3b: {  	v2 =	vor.u32 v3, v2;
	v3 =	vand.u32 $0x3, v4;
	v4 =	vadd.s32 v7, v6;
	v7 =	vld [tilespmem:s24+$0x50];
	(pc) =	sbr.rel @p0 .LBB2_2-.Ltmp0, $4  }
0x3c: {  	v2 =	vor.u32 v3, v2;
	v3 =	vand.u32 $0xFFFF0000, v4;
	v6 =	vshll.u32 v4, $0x2  }
0x3d: {  	v10 =	vshrl.u32 v4, $0xE;
	v6 =	vand.u32 $0xFFFC, v6;
	v12 =	vadd.s32 v8, v9;
	v4 =	vld [tilespmem:s24+$0x3460]  }
0x3e: {  	v9 =	vand.u32 $0x3, v10;
	v8 =	vor.u32 v3, v6;
	v3 =	vshll.u32 v12, $0x2;
	v6 =	vld [tilespmem:s24+$0x60]  }
0x3f: {  	s25 =	sadd.s32 $0x200, s25;
	v10 =	vand.u32 $0xFFFF0000, v12;
	v12 =	vshrl.u32 v12, $0xE;
	v11 =	vand.u32 $0xFFFC, v3;
	v3 =	vld [tilespmem:s24+$0x3470]  }
0x40: {  	v10 =	vor.u32 v10, v11;
	v47 =	vand.u32 $0x3, v12;
	v5 =	vadd.s32 v7, v5;
	v48 =	vld [tilespmem:s24+$0x70]  }
0x41: {  	v8 =	vor.u32 v9, v8;
	v49 =	vor.u32 v47, v10;
	v50 =	vshll.u32 v5, $0x2  }
0x42: {  	v51 =	vand.u32 $0xFFFF0000, v5;
	v5 =	vshrl.u32 v5, $0xE;
	v10 =	vand.u32 $0xFFFC, v50  }
0x43: {  	[tilespmem:s24+$0x0] =	vst v1;
	v5 =	vand.u32 $0x3, v5;
	v52 =	vor.u32 v51, v10;
	v4 =	vadd.s32 v6, v4  }
0x44: {  	[tilespmem:s24+$0x10] =	vst v0;
	v53 =	vor.u32 v5, v52;
	v54 =	vand.u32 $0xFFFF0000, v4;
	v55 =	vshll.u32 v4, $0x2  }
0x45: {  	[tilespmem:s24+$0x20] =	vst v2;
	v4 =	vshrl.u32 v4, $0xE;
	v56 =	vand.u32 $0xFFFC, v55;
	v3 =	vadd.s32 v48, v3  }
0x46: {  	[tilespmem:s24+$0x30] =	vst v8;
	v57 =	vand.u32 $0x3, v4;
	v1 =	vor.u32 v54, v56;
	v58 =	vshll.u32 v3, $0x2  }
0x47: {  	[tilespmem:s24+$0x40] =	vst v49;
	v59 =	vand.u32 $0xFFFF0000, v3;
	v3 =	vshrl.u32 v3, $0xE;
	v4 =	vand.u32 $0xFFFC, v58  }
0x48: {  	[tilespmem:s24+$0x50] =	vst v53;
	v60 =	vor.u32 v57, v1;
	v62 =	vand.u32 $0x3, v3;
	v61 =	vor.u32 v59, v4  }
0x49: {  	[tilespmem:s24+$0x60] =	vst v60;
	v63 =	vor.u32 v62, v61  }
0x4a: {  	s30 =	simm.s32 $0x0;
	[tilespmem:s24+$0x70] =	vst v63  }
0x4b: {  	[tilespmem:s10], [sflag:$0x1] =	stream.indirect.gather [hbm4b:s4+s9], $0x20, s30, s9, $0xb8;
	[tilespmem:$0x13800] =	vst v63  }
0x4c: {  	s25 =	rddreg [dreg:$0x4];
	s31 =	simm.s32 $0x80  }
0x4d: {  	[tilespmem:s25], [sflag:$0x1] =	stream.indirect.gather [hbm4b:s4+s9], $0x20, s31, s9, $0xb8;
	[tilespmem:$0x13800] =	vst v63  }
0x4e: {  	s25 =	simm.s32 $0x100  }
0x4f: {  	[tilespmem:s11], [sflag:$0x1] =	stream.indirect.gather [hbm4b:s4+s9], $0x20, s25, s9, $0xb8;
	[tilespmem:$0x13800] =	vst v63  }
0x50: {  	s26 =	simm.s32 $0x180  }
0x51: {  	[tilespmem:s12], [sflag:$0x1] =	stream.indirect.gather [hbm4b:s4+s9], $0x20, s26, s9, $0xb8;
	[tilespmem:$0x13800] =	vst v63  }
0x52: {  	s28 =	simm.s32 $0x200  }
0x53: {  	[tilespmem:s13], [sflag:$0x1] =	stream.indirect.gather [hbm4b:s4+s9], $0x20, s28, s9, $0xb8;
	[tilespmem:$0x13800] =	vst v63  }
0x54: {  	s29 =	simm.s32 $0x280  }
0x55: {  	[tilespmem:s14], [sflag:$0x1] =	stream.indirect.gather [hbm4b:s4+s9], $0x20, s29, s9, $0xb8;
	[tilespmem:$0x13800] =	vst v63  }
0x56: {  	s30 =	simm.s32 $0x300  }
0x57: {  	[tilespmem:s15], [sflag:$0x1] =	stream.indirect.gather [hbm4b:s4+s9], $0x20, s30, s9, $0xb8;
	[tilespmem:$0x13800] =	vst v63  }
0x58: {  	s31 =	simm.s32 $0x380  }
0x59: {  	[tilespmem:s16], [sflag:$0x1] =	stream.indirect.gather [hbm4b:s4+s9], $0x20, s31, s9, $0xb8;
	[tilespmem:$0x13800] =	vst v63  }
0x5a: {  	s25 =	simm.s32 $0x400  }
0x5b: {  	[tilespmem:s17], [sflag:$0x1] =	stream.indirect.gather [hbm4b:s4+s9], $0x20, s25, s9, $0xb8;
	[tilespmem:$0x13800] =	vst v63  }
0x5c: {  	s26 =	simm.s32 $0x480  }
0x5d: {  	[tilespmem:s18], [sflag:$0x1] =	stream.indirect.gather [hbm4b:s4+s9], $0x20, s26, s9, $0xb8;
	[tilespmem:$0x13800] =	vst v63  }
0x5e: {  	s28 =	simm.s32 $0x500  }
0x5f: {  	[tilespmem:s19], [sflag:$0x1] =	stream.indirect.gather [hbm4b:s4+s9], $0x20, s28, s9, $0xb8;
	[tilespmem:$0x13800] =	vst v63  }
0x60: {  	s29 =	simm.s32 $0x580  }
0x61: {  	[tilespmem:s20], [sflag:$0x1] =	stream.indirect.gather [hbm4b:s4+s9], $0x20, s29, s9, $0xb8;
	[tilespmem:$0x13800] =	vst v63  }
0x62: {  	s30 =	simm.s32 $0x600  }
0x63: {  	[tilespmem:s21], [sflag:$0x1] =	stream.indirect.gather [hbm4b:s4+s9], $0x20, s30, s9, $0xb8;
	[tilespmem:$0x13800] =	vst v63  }
0x64: {  	_ =	swait.ge [sflag:s22], $0x1000  }
0x65: {  	[sflag:s22] =	ssyncset.done $0x0  }
0x66: {  	[sflag:s22] =	ssyncadd.s32 $0xFFFFF000  }
0x67: {  	_ =	swait.ge [sflag:s22], $0x1000  }
0x68: {  	[sflag:s22] =	ssyncset.done $0x0  }
0x69: {  	[sflag:s22] =	ssyncadd.s32 $0xFFFFF000  }
0x6a: {  	_ =	swait.ge [sflag:s22], $0x1000  }
0x6b: {  	[sflag:s22] =	ssyncset.done $0x0  }
0x6c: {  	[sflag:s22] =	ssyncadd.s32 $0xFFFFF000  }
0x6d: {  	_ =	swait.ge [sflag:s22], $0x1000  }
0x6e: {  	[sflag:s22] =	ssyncset.done $0x0  }
0x6f: {  	[sflag:s22] =	ssyncadd.s32 $0xFFFFF000  }
0x70: {  	_ =	swait.ge [sflag:s22], $0x1000  }
0x71: {  	[sflag:s22] =	ssyncset.done $0x0  }
0x72: {  	[sflag:s22] =	ssyncadd.s32 $0xFFFFF000  }
0x73: {  	_ =	swait.ge [sflag:s22], $0x1000  }
0x74: {  	[sflag:s22] =	ssyncset.done $0x0  }
0x75: {  	[sflag:s22] =	ssyncadd.s32 $0xFFFFF000  }
0x76: {  	_ =	swait.ge [sflag:s22], $0x1000  }
0x77: {  	[sflag:s22] =	ssyncset.done $0x0  }
0x78: {  	[sflag:s22] =	ssyncadd.s32 $0xFFFFF000  }
0x79: {  	_ =	swait.ge [sflag:s22], $0x1000  }
0x7a: {  	[sflag:s22] =	ssyncset.done $0x0  }
0x7b: {  	[sflag:s22] =	ssyncadd.s32 $0xFFFFF000  }
0x7c: {  	_ =	swait.ge [sflag:s22], $0x1000  }
0x7d: {  	[sflag:s22] =	ssyncset.done $0x0  }
0x7e: {  	[sflag:s22] =	ssyncadd.s32 $0xFFFFF000  }
0x7f: {  	_ =	swait.ge [sflag:s22], $0x1000  }
0x80: {  	[sflag:s22] =	ssyncset.done $0x0  }
0x81: {  	[sflag:s22] =	ssyncadd.s32 $0xFFFFF000  }
0x82: {  	_ =	swait.ge [sflag:s22], $0x1000  }
0x83: {  	[sflag:s22] =	ssyncset.done $0x0  }
0x84: {  	[sflag:s22] =	ssyncadd.s32 $0xFFFFF000  }
0x85: {  	_ =	swait.ge [sflag:s22], $0x1000  }
0x86: {  	[sflag:s22] =	ssyncset.done $0x0  }
0x87: {  	[sflag:s22] =	ssyncadd.s32 $0xFFFFF000  }
0x88: {  	_ =	swait.ge [sflag:s22], $0x1000  }
0x89: {  	s31 =	rddreg [dreg:$0x3];
	[sflag:s22] =	ssyncset.done $0x0  }
0x8a: {  	[sflag:s22] =	ssyncadd.s32 $0xFFFFF000;
	s24 =	sadd.s32 $0x0, s31  }
0x8b: {  	[hbm4b:s24+s3] =	stream.linear.scatter [tilespmem:s10], [sflag:$0x2], $0xD000, $0x38;
	[tilespmem:$0x13800] =	vst v63  }
0x8c: {  	_ =	swait.ge [sflag:s7], $0xD000  }
0x8d: {  	s25 =	simm.s32 $0x3400;
	s24 =	simm.s32 $0x1A00;
	[sflag:s7] =	ssyncset.done $0x0  }
.LBB2_4:
0x8e: {  	s28 =	sshra.s32 s24, $0x2;
	[sflag:s7] =	ssyncadd.s32 $0xFFFF3000  }
0x8f: {  	[tilespmem:s10], [sflag:$0x1] =	stream.indirect.gather [hbm4b:s4+s9], $0x20, s28, s9, $0xb8;
	[tilespmem:$0x13800] =	vst v63  }
0x90: {  	s29 =	rddreg [dreg:$0x4];
	s30 =	sadd.s32 $0x80, s28  }
0x91: {  	[tilespmem:s29], [sflag:$0x1] =	stream.indirect.gather [hbm4b:s4+s9], $0x20, s30, s9, $0xb8;
	[tilespmem:$0x13800] =	vst v63  }
0x92: {  	s31 =	sadd.s32 $0x100, s28  }
0x93: {  	[tilespmem:s11], [sflag:$0x1] =	stream.indirect.gather [hbm4b:s4+s9], $0x20, s31, s9, $0xb8;
	[tilespmem:$0x13800] =	vst v63  }
0x94: {  	s30 =	sadd.s32 $0x180, s28  }
0x95: {  	[tilespmem:s12], [sflag:$0x1] =	stream.indirect.gather [hbm4b:s4+s9], $0x20, s30, s9, $0xb8;
	[tilespmem:$0x13800] =	vst v63  }
0x96: {  	s31 =	sadd.s32 $0x200, s28  }
0x97: {  	[tilespmem:s13], [sflag:$0x1] =	stream.indirect.gather [hbm4b:s4+s9], $0x20, s31, s9, $0xb8;
	[tilespmem:$0x13800] =	vst v63  }
0x98: {  	s30 =	sadd.s32 $0x280, s28  }
0x99: {  	[tilespmem:s14], [sflag:$0x1] =	stream.indirect.gather [hbm4b:s4+s9], $0x20, s30, s9, $0xb8;
	[tilespmem:$0x13800] =	vst v63  }
0x9a: {  	s31 =	sadd.s32 $0x300, s28  }
0x9b: {  	[tilespmem:s15], [sflag:$0x1] =	stream.indirect.gather [hbm4b:s4+s9], $0x20, s31, s9, $0xb8;
	[tilespmem:$0x13800] =	vst v63  }
0x9c: {  	s30 =	sadd.s32 $0x380, s28  }
0x9d: {  	[tilespmem:s16], [sflag:$0x1] =	stream.indirect.gather [hbm4b:s4+s9], $0x20, s30, s9, $0xb8;
	[tilespmem:$0x13800] =	vst v63  }
0x9e: {  	s31 =	sadd.s32 $0x400, s28  }
0x9f: {  	[tilespmem:s17], [sflag:$0x1] =	stream.indirect.gather [hbm4b:s4+s9], $0x20, s31, s9, $0xb8;
	[tilespmem:$0x13800] =	vst v63  }
0xa0: {  	s30 =	sadd.s32 $0x480, s28  }
0xa1: {  	[tilespmem:s18], [sflag:$0x1] =	stream.indirect.gather [hbm4b:s4+s9], $0x20, s30, s9, $0xb8;
	[tilespmem:$0x13800] =	vst v63  }
0xa2: {  	s31 =	sadd.s32 $0x500, s28  }
0xa3: {  	[tilespmem:s19], [sflag:$0x1] =	stream.indirect.gather [hbm4b:s4+s9], $0x20, s31, s9, $0xb8;
	[tilespmem:$0x13800] =	vst v63  }
0xa4: {  	s30 =	sadd.s32 $0x580, s28  }
0xa5: {  	[tilespmem:s20], [sflag:$0x1] =	stream.indirect.gather [hbm4b:s4+s9], $0x20, s30, s9, $0xb8;
	[tilespmem:$0x13800] =	vst v63  }
0xa6: {  	s28 =	sadd.s32 $0x600, s28  }
0xa7: {  	[tilespmem:s21], [sflag:$0x1] =	stream.indirect.gather [hbm4b:s4+s9], $0x20, s28, s9, $0xb8;
	[tilespmem:$0x13800] =	vst v63  }
0xa8: {  	_ =	swait.ge [sflag:s22], $0x1000  }
0xa9: {  	[sflag:s22] =	ssyncset.done $0x0  }
0xaa: {  	[sflag:s22] =	ssyncadd.s32 $0xFFFFF000  }
0xab: {  	_ =	swait.ge [sflag:s22], $0x1000  }
0xac: {  	[sflag:s22] =	ssyncset.done $0x0  }
0xad: {  	[sflag:s22] =	ssyncadd.s32 $0xFFFFF000  }
0xae: {  	_ =	swait.ge [sflag:s22], $0x1000  }
0xaf: {  	[sflag:s22] =	ssyncset.done $0x0  }
0xb0: {  	[sflag:s22] =	ssyncadd.s32 $0xFFFFF000  }
0xb1: {  	_ =	swait.ge [sflag:s22], $0x1000  }
0xb2: {  	[sflag:s22] =	ssyncset.done $0x0  }
0xb3: {  	[sflag:s22] =	ssyncadd.s32 $0xFFFFF000  }
0xb4: {  	_ =	swait.ge [sflag:s22], $0x1000  }
0xb5: {  	[sflag:s22] =	ssyncset.done $0x0  }
0xb6: {  	[sflag:s22] =	ssyncadd.s32 $0xFFFFF000  }
0xb7: {  	_ =	swait.ge [sflag:s22], $0x1000  }
0xb8: {  	[sflag:s22] =	ssyncset.done $0x0  }
0xb9: {  	[sflag:s22] =	ssyncadd.s32 $0xFFFFF000  }
0xba: {  	_ =	swait.ge [sflag:s22], $0x1000  }
0xbb: {  	[sflag:s22] =	ssyncset.done $0x0  }
0xbc: {  	[sflag:s22] =	ssyncadd.s32 $0xFFFFF000  }
0xbd: {  	_ =	swait.ge [sflag:s22], $0x1000  }
0xbe: {  	[sflag:s22] =	ssyncset.done $0x0  }
0xbf: {  	[sflag:s22] =	ssyncadd.s32 $0xFFFFF000  }
0xc0: {  	_ =	swait.ge [sflag:s22], $0x1000  }
0xc1: {  	[sflag:s22] =	ssyncset.done $0x0  }
0xc2: {  	[sflag:s22] =	ssyncadd.s32 $0xFFFFF000  }
0xc3: {  	_ =	swait.ge [sflag:s22], $0x1000  }
0xc4: {  	[sflag:s22] =	ssyncset.done $0x0  }
0xc5: {  	[sflag:s22] =	ssyncadd.s32 $0xFFFFF000  }
0xc6: {  	_ =	swait.ge [sflag:s22], $0x1000  }
0xc7: {  	[sflag:s22] =	ssyncset.done $0x0  }
0xc8: {  	[sflag:s22] =	ssyncadd.s32 $0xFFFFF000  }
0xc9: {  	_ =	swait.ge [sflag:s22], $0x1000  }
0xca: {  	[sflag:s22] =	ssyncset.done $0x0  }
0xcb: {  	[sflag:s22] =	ssyncadd.s32 $0xFFFFF000  }
0xcc: {  	p0 =	sne.s32 s25, $0xB600;
	_ =	swait.ge [sflag:s22], $0x1000  }
.Ltmp1:
0xcd: {  	s31 =	rddreg [dreg:$0x3];
	[sflag:s22] =	ssyncset.done $0x0;
	(pc) =	sbr.rel @p0 .LBB2_4-.Ltmp1, $4  }
0xce: {  	[sflag:s22] =	ssyncadd.s32 $0xFFFFF000;
	s28 =	sadd.s32 s24, s31  }
0xcf: {  	[hbm4b:s28+s3] =	stream.linear.scatter [tilespmem:s10], [sflag:$0x2], $0xD000, $0x38;
	[tilespmem:$0x13800] =	vst v63  }
0xd0: {  	s26 =	smov.u32 s25;
	_ =	swait.ge [sflag:s7], $0xD000  }
0xd1: {  	s25 =	sadd.s32 $0x1A00, s25;
	s24 =	smov.u32 s26;
	[sflag:s7] =	ssyncset.done $0x0  }
0xd2: {  	s25 =	sshra.s32 s24, $0x2;
	[sflag:s7] =	ssyncadd.s32 $0xFFFF3000  }
0xd3: {  	[tilespmem:s10], [sflag:$0x1] =	stream.indirect.gather [hbm4b:s4+s9], $0x20, s25, s9, $0xb8;
	[tilespmem:$0x13800] =	vst v63  }
0xd4: {  	s26 =	rddreg [dreg:$0x4];
	s28 =	sadd.s32 $0x80, s25  }
0xd5: {  	[tilespmem:s26], [sflag:$0x1] =	stream.indirect.gather [hbm4b:s4+s9], $0x20, s28, s9, $0xb8;
	[tilespmem:$0x13800] =	vst v63  }
0xd6: {  	s28 =	sadd.s32 $0x100, s25  }
0xd7: {  	[tilespmem:s11], [sflag:$0x1] =	stream.indirect.gather [hbm4b:s4+s9], $0x20, s28, s9, $0xb8;
	[tilespmem:$0x13800] =	vst v63  }
0xd8: {  	s29 =	sadd.s32 $0x180, s25  }
0xd9: {  	[tilespmem:s12], [sflag:$0x1] =	stream.indirect.gather [hbm4b:s4+s9], $0x20, s29, s9, $0xb8;
	[tilespmem:$0x13800] =	vst v63  }
0xda: {  	s30 =	sadd.s32 $0x200, s25  }
0xdb: {  	[tilespmem:s13], [sflag:$0x1] =	stream.indirect.gather [hbm4b:s4+s9], $0x20, s30, s9, $0xb8;
	[tilespmem:$0x13800] =	vst v63  }
0xdc: {  	s31 =	sadd.s32 $0x280, s25  }
0xdd: {  	[tilespmem:s14], [sflag:$0x1] =	stream.indirect.gather [hbm4b:s4+s9], $0x20, s31, s9, $0xb8;
	[tilespmem:$0x13800] =	vst v63  }
0xde: {  	s28 =	sadd.s32 $0x300, s25  }
0xdf: {  	[tilespmem:s15], [sflag:$0x1] =	stream.indirect.gather [hbm4b:s4+s9], $0x20, s28, s9, $0xb8;
	[tilespmem:$0x13800] =	vst v63  }
0xe0: {  	s29 =	sadd.s32 $0x380, s25  }
0xe1: {  	[tilespmem:s16], [sflag:$0x1] =	stream.indirect.gather [hbm4b:s4+s9], $0x20, s29, s9, $0xb8;
	[tilespmem:$0x13800] =	vst v63  }
0xe2: {  	s30 =	sadd.s32 $0x400, s25  }
0xe3: {  	[tilespmem:s17], [sflag:$0x1] =	stream.indirect.gather [hbm4b:s4+s9], $0x20, s30, s9, $0xb8;
	[tilespmem:$0x13800] =	vst v63  }
0xe4: {  	s31 =	sadd.s32 $0x480, s25  }
0xe5: {  	[tilespmem:s18], [sflag:$0x1] =	stream.indirect.gather [hbm4b:s4+s9], $0x20, s31, s9, $0xb8;
	[tilespmem:$0x13800] =	vst v63  }
0xe6: {  	s28 =	sadd.s32 $0x500, s25  }
0xe7: {  	[tilespmem:s19], [sflag:$0x1] =	stream.indirect.gather [hbm4b:s4+s9], $0x20, s28, s9, $0xb8;
	[tilespmem:$0x13800] =	vst v63  }
0xe8: {  	s29 =	sadd.s32 $0x580, s25  }
0xe9: {  	[tilespmem:s20], [sflag:$0x1] =	stream.indirect.gather [hbm4b:s4+s9], $0x20, s29, s9, $0xb8;
	[tilespmem:$0x13800] =	vst v63  }
0xea: {  	s25 =	sadd.s32 $0x600, s25  }
0xeb: {  	[tilespmem:s21], [sflag:$0x1] =	stream.indirect.gather [hbm4b:s4+s9], $0x20, s25, s9, $0xb8;
	[tilespmem:$0x13800] =	vst v63  }
0xec: {  	_ =	swait.ge [sflag:s22], $0x1000  }
0xed: {  	[sflag:s22] =	ssyncset.done $0x0  }
0xee: {  	[sflag:s22] =	ssyncadd.s32 $0xFFFFF000  }
0xef: {  	_ =	swait.ge [sflag:s22], $0x1000  }
0xf0: {  	[sflag:s22] =	ssyncset.done $0x0  }
0xf1: {  	[sflag:s22] =	ssyncadd.s32 $0xFFFFF000  }
0xf2: {  	_ =	swait.ge [sflag:s22], $0x1000  }
0xf3: {  	[sflag:s22] =	ssyncset.done $0x0  }
0xf4: {  	[sflag:s22] =	ssyncadd.s32 $0xFFFFF000  }
0xf5: {  	_ =	swait.ge [sflag:s22], $0x1000  }
0xf6: {  	[sflag:s22] =	ssyncset.done $0x0  }
0xf7: {  	[sflag:s22] =	ssyncadd.s32 $0xFFFFF000  }
0xf8: {  	_ =	swait.ge [sflag:s22], $0x1000  }
0xf9: {  	[sflag:s22] =	ssyncset.done $0x0  }
0xfa: {  	[sflag:s22] =	ssyncadd.s32 $0xFFFFF000  }
0xfb: {  	_ =	swait.ge [sflag:s22], $0x1000  }
0xfc: {  	[sflag:s22] =	ssyncset.done $0x0  }
0xfd: {  	[sflag:s22] =	ssyncadd.s32 $0xFFFFF000  }
0xfe: {  	_ =	swait.ge [sflag:s22], $0x1000  }
0xff: {  	[sflag:s22] =	ssyncset.done $0x0  }
0x100: {  	[sflag:s22] =	ssyncadd.s32 $0xFFFFF000  }
0x101: {  	_ =	swait.ge [sflag:s22], $0x1000  }
0x102: {  	[sflag:s22] =	ssyncset.done $0x0  }
0x103: {  	[sflag:s22] =	ssyncadd.s32 $0xFFFFF000  }
0x104: {  	_ =	swait.ge [sflag:s22], $0x1000  }
0x105: {  	[sflag:s22] =	ssyncset.done $0x0  }
0x106: {  	[sflag:s22] =	ssyncadd.s32 $0xFFFFF000  }
0x107: {  	_ =	swait.ge [sflag:s22], $0x1000  }
0x108: {  	[sflag:s22] =	ssyncset.done $0x0  }
0x109: {  	[sflag:s22] =	ssyncadd.s32 $0xFFFFF000  }
0x10a: {  	_ =	swait.ge [sflag:s22], $0x1000  }
0x10b: {  	[sflag:s22] =	ssyncset.done $0x0  }
0x10c: {  	[sflag:s22] =	ssyncadd.s32 $0xFFFFF000  }
0x10d: {  	_ =	swait.ge [sflag:s22], $0x1000  }
0x10e: {  	[sflag:s22] =	ssyncset.done $0x0  }
0x10f: {  	[sflag:s22] =	ssyncadd.s32 $0xFFFFF000  }
0x110: {  	s23 =	sadd.s32 $0x1, s23;
	_ =	swait.ge [sflag:s22], $0x1000  }
0x111: {  	p0 =	sne.s32 s23, s6;
	s30 =	rddreg [dreg:$0x3];
	[sflag:s22] =	ssyncset.done $0x0  }
.Ltmp2:
0x112: {  	[sflag:s22] =	ssyncadd.s32 $0xFFFFF000;
	s31 =	sadd.s32 s24, s30;
	(pc) =	sbr.rel @p0 .LBB2_1-.Ltmp2, $4  }
0x113: {  	[hbm4b:s31+s3] =	stream.linear.scatter [tilespmem:s10], [sflag:$0x2], $0xD000, $0x38;
	[tilespmem:$0x13800] =	vst v63  }
0x114: {  	_ =	swait.ge [sflag:s7], $0xD000  }
0x115: {  	[sflag:s7] =	ssyncset.done $0x0  }
0x116: {  	[sflag:s7] =	ssyncadd.s32 $0xFFFF3000  }
0x117: {  	_ =	sfence.sel $0x180000  }
0x118: {  	[bflag:$0x0] =	sbarrier.arrive $0xFFFF  }
0x119: {  	p0 =	sne.s32 s0, $0x0;
	_ =	strace $0x90000047  }
0x11a: {  	s0 =	sadd.s32 @!p0 $0x100000, s1;
	[bflag:$0x2] =	sbarrier.arrive $0xFFFF  }
0x11b: {  	[sflag:s0] =	ssyncadd.tile.s32 @!p0 $0x1;
	_ =	shalt  }
.Lfunc_end2:
_tile_overlayer_lowered:
.L_overlay_start_2:
0x11c: {  	(tag) =	ssettag $0x2  }
0x11d: {  	s0 =	rddreg [dreg:$0x0];
	s2 =	stileid.u32  }
0x11e: {  	s1 =	rddreg [dreg:$0x1];
	p0 =	sne.s32 s2, $0x0  }
0x11f: {  	s3 =	rddreg [dreg:$0x2];
	[bflag:$0x3] =	sbarrier.arrive $0xFFFF;
	s2 =	simm.s32 @!p0 $0x1C02  }
0x120: {  	[timem:s3], [sflag:s2] =	dma.local @!p0 [hbm:s0], s1  }
0x121: {  	s0 =	simm.s32 @!p0 $0x2  }
0x122: {  	_ =	swait.ge @!p0 [sflag:s0], s1  }
0x123: {  	s1 =	ssub.s32 @!p0 $0x0, s1;
	[sflag:s0] =	ssyncset.done @!p0 $0x0  }
0x124: {  	[sflag:s0] =	ssyncadd.s32 @!p0 s1  }
0x125: {  	[bflag:$0x3] =	sbarrier.arrive $0xFFFF  }
0x126: {  	_ =	shalt  }

// kernel: sparse-core-data-format-call.cloned.1.call-start
scs
called_computation_lowered:
.L_overlay_start_0:
0x0: {  	s2 =	sld [smem:$0x3FD9]  }
0x1: {  	s3 =	sld [smem:$0x3FFE];
	_ =	sdelay $0x1  }
0x2: {  	s1 =	srdreg.scid  }
0x3: {  	s0 =	sand.u32 $0x1, s1  }
0x4: {  	s18 =	sshll.u32 s0, $0xA;
	s2 =	sadd.s32 s3, s2  }
0x5: {  	s2 =	sadd.s32 s2, s18  }
0x6: {  	[smem:$0x3FC5] =	sst s2  }
0x7: {  	_ = 	snop  }
0x8: {  	s2 =	sld [smem:$0x3FD0];
	(tm) =	ssettm $0x1  }
0x9: {  	s19 =	sld [smem:$0x3FFB];
	_ =	sdelay $0x3  }
0xa: {  	_ =	strace s19  }
0xb: {  	s3 =	sld [smem:$0x3FFC];
	_ =	sdelay $0x3  }
0xc: {  	_ =	strace s3  }
0xd: {  	s3 =	sld [smem:$0x3FFD];
	_ =	sdelay $0x3  }
0xe: {  	_ =	strace s3  }
0xf: {  	_ =	strace $0x8FFFFFFF  }
0x10: {  	s20 =	sld [smem:$0x3FDB];
	_ =	sdelay $0x1  }
0x11: {  	s4 =	simm.s32 $_scs_section_size  }
0x12: {  	s5 =	simm.s32 $_size__tile_overlayer_lowered;
	s6 =	simm.s32 $_tile_overlayer_lowered  }
0x13: {  	s23 =	simm.s32 $0x1BFF;
	s22 =	sshll.u32 s6, $0x1;
	s3 =	sadd.s32 s4, s20  }
0x14: {  	s7 =	simm.s32 $0x0;
	s21 =	sshll.u32 s5, $0x1;
	s5 =	sadd.s32 s22, s3  }
0x15: {  	[timem:s7], [sflag:s23] =	dma.local [hbm:s5], s21  }
0x16: {  	_ =	swait.ge [sflag:s23], s21  }
0x17: {  	s4 =	ssub.s32 $0x0, s21;
	[sflag:s23] =	ssyncset.done $0x0  }
0x18: {  	[sflag:s23] =	ssyncadd.s32 s4;
	_ =	sdelay $0x1  }
0x19: {  	s24 =	simm.s32 $0x1B8B  }
0x1a: {  	_ =	swait.ge [sflag:s24], $0x1  }
0x1b: {  	[sflag:s24] =	ssyncset.done $0x0  }
0x1c: {  	s26 =	simm.s32 $0x1B8E;
	s25 =	sld [smem:$0x3FFE];
	[sflag:s24] =	ssyncadd.s32 $0xFFFFFFFF  }
0x1d: {  	s27 =	simm.s32 $execute0_lowered;
	[smem:$0x3FD2] =	sst s26  }
0x1e: {  	s5 =	sshll.u32 s27, $0x1;
	_ =	strace $0x80000049;
	[dreg:$0x1] =	wrdreg $0xFFFFFFFF  }
0x1f: {  	s28 =	simm.s32 $_size_execute0_lowered;
	s3 =	sadd.s32 s3, s5;
	[dreg:$0x0] =	wrdreg $0x0  }
0x20: {  	s5 =	sshll.u32 s28, $0x1;
	[dreg:$0x2] =	wrdreg s3  }
0x21: {  	[dreg:$0x3] =	wrdreg s5  }
0x22: {  	[dreg:$0x4] =	wrdreg $0xC0  }
0x23: {  	_ =	task [dreg:s7], $0x5FFFF  }
0x24: {  	[dreg:$0x1] =	wrdreg $0xFFFFFFFF  }
0x25: {  	[dreg:$0x0] =	wrdreg $0x60  }
0x26: {  	[dreg:$0x2] =	wrdreg s25  }
0x27: {  	[dreg:$0x3] =	wrdreg s2  }
0x28: {  	[dreg:$0x4] =	wrdreg $0x9  }
0x29: {  	_ =	task.clear_ibuf [dreg:s7], $0x5FFFF;
	_ =	strace $0x90000049  }
0x2a: {  	s29 =	simm.s32 $0x9;
	_ =	strace $0x8000004B  }
0x2b: {  	_ =	swait.ge [sflag:s29], $0x1  }
0x2c: {  	[sflag:s29] =	ssyncadd.s32 $0xFFFFFFFF  }
0x2d: {  	_ =	strace $0x9000004B  }
0x2e: {  	_ =	sfence  }
0x2f: {  	s30 =	sld [smem:$0x0];
	_ =	sdelay $0x2  }
0x30: {  	s31 =	sshll.u32 s1, $0xD;
	s1 =	sshrl.u32 s1, $0x2  }
0x31: {  	s3 =	sand.u32 $0x4000, s31;
	s1 =	sadd.s32 s1, s30  }
0x32: {  	s0 =	sor.u32 s3, s0;
	s1 =	sshll.u32 s1, $0x11  }
0x33: {  	s0 =	sor.u32 s1, s0  }
0x34: {  	s0 =	sadd.s32 $0x8F2B, s0  }
0x35: {  	[sflag:s0] =	ssyncadd.remote.s32 $0x1  }
0x36: {  	_ =	sfence.sel $0xFFFF  }
0x37: {  	[dreg:$0x0] =	wrdreg $0xFFFFFFFF;
	(pc) =	sbr.abs _section_cstart, $3  }
0x38: {  	[dreg:$0x1] =	wrdreg $0xFFFFFFFF  }
0x39: {  	_ =	task.clear_ibuf [dreg:s7], $0x2FFFF;
	_ =	strace $0x9FFFFFFF  }
0x3a: {  	(tm) =	ssettm $0x7FFFFFFF  }
0x3b: {  	_ =	shalt  }
tec
execute0_lowered:
.L_overlay_start_1:
0x0: {  	(tag) =	ssettag $0x1  }
0x1: {  	s0 =	srdreg.scid  }
0x2: {  	s1 =	sshll.u32 s0, $0x4  }
0x3: {  	s0 =	stileid.u32;
	s1 =	sand.u32 $0x10, s1  }
0x4: {  	s3 =	rddreg [dreg:$0x0];
	s1 =	sor.u32 s0, s1  }
0x5: {  	s4 =	rddreg [dreg:$0x1];
	s6 =	simm.s32 $0x1;
	s2 =	sshll.u32 s1, $0x7  }
0x6: {  	s31 =	simm.s32 $0x2;
	s15 =	simm.s32 $0x0;
	s5 =	ssub.s32 $0x4000, s2  }
0x7: {  	s8 =	simm.s32 $0x20000;
	s14 =	simm.s32 $0x0;
	s30 =	sand.u32 $0xF80, s5  }
0x8: {  	s9 =	simm.s32 $0x0;
	s10 =	simm.s32 $0x0;
	p0 =	sne.s32 s30, $0x0  }
.Ltmp0:
0x9: {  	s7 =	sshrl.u32 s5, $0xC;
	s6 =	simm.s32 @!p0 $0x0;
	(pc) =	sbr.rel .LBB1_1-.Ltmp0, $4  }
0xa: {  	s11 =	simm.s32 $0x0;
	s1 =	rddreg [dreg:$0x2];
	s6 =	sadd.s32 s6, s7  }
0xb: {  	_ =	strace $0x8000004A;
	s5 =	simm.s32 $0x1;
	s6 =	smul.u32 $0x7, s6  }
0xc: {  	s13 =	simm.s32 $0x0;
	s12 =	smov.u32 s2;
	[sflag:s5] =	ssyncpa.u1 $0x0  }
0xd: {  	[sflag:s31] =	ssyncpa.u1 $0x0;
	p0 =	por $0x0, $0x0;
	s7 =	sadd.s32 $0x1, s6  }
.LBB1_4:
0xe: {  	s20 =	sshra.s32 s20, $0x2  }
0xf: {  	s28 =	sand.u32 $0x78, s10;
	s21 =	sshll.u32 s9, $0xE;
	s22 =	sshll.u32 s10, $0x3  }
0x10: {  	s24 =	sshll.u32 s9, $0x7;
	p1 =	sgt.s32 s9, $0x2C0;
	s30 =	sshra.s32 s9, $0x1F  }
0x11: {  	s26 =	sshra.s32 s10, $0x1F;
	s19 =	sadd.s32 s20, s19;
	s21 =	sand.u32 $0xFFFE0000, s21  }
0x12: {  	v5 =	vld [tilespmem:s17+$0xFFFFFFD0];
	[tilespmem:s18+$0x2040 ss:$0x81] =	vst.msk $0xffff, v4;
	s23 =	sand.u32 $0xFFFFFC00, s22;
	s29 =	sand.u32 $0x380, s24;
	s22 =	sand.u32 $0x3C00, s22  }
0x13: {  	v58 =	vld [tilespmem:s17+$0xFFFFFFE0];
	[tilespmem:s18+$0x2850 ss:$0x81] =	vst.msk $0xffff, v3;
	s21 =	sadd.s32 s23, s21;
	s20 =	sor.u32 s28, s22;
	s22 =	smov.u32 s9  }
0x14: {  	v59 =	vld [tilespmem:s17+$0xFFFFFFF0];
	[tilespmem:s18+$0x3060 ss:$0x81] =	vst.msk $0xffff, v2;
	s24 =	sand.u32 s30, s9;
	s21 =	sshrl.u32 s21, $0xE;
	s22 =	simm.s32 @!p1 $0x2C0  }
0x15: {  	v60 =	vld [tilespmem:s17+$0x0];
	[tilespmem:s18+$0x0 ss:$0x81] =	vst.msk $0xffff, v1;
	p1 =	sgt.s32 s10, $0x3F80;
	s31 =	ssub.s32 s22, s24;
	s22 =	smov.u32 s10  }
0x16: {  	v61 =	vld [tilespmem:s17+$0x10];
	[tilespmem:s19+$0x3870 ss:$0x81] =	vst.msk $0xffff, v0;
	s25 =	smulhi.u32 $0x4EC4ED, s21;
	s24 =	sand.u32 s26, s10;
	s22 =	simm.s32 @!p1 $0x3F80  }
0x17: {  	v62 =	vld [tilespmem:s17+$0x20];
	s20 =	sor.u32 s29, s20;
	[tilespmem:s19+$0x810 ss:$0x81] =	vst.msk $0xffff, v5;
	s27 =	sadd.s32 $0xFFFFFD40, s31;
	s22 =	ssub.s32 s22, s24  }
0x18: {  	v63 =	vld [tilespmem:s17+$0xFFFFFFC0];
	[tilespmem:s19+$0x1020 ss:$0x81] =	vst.msk $0xffff, v58;
	s18 =	ssub.s32 $0x340, s31;
	s28 =	smul.u32 $0x340, s25;
	s29 =	sadd.s32 $0xFFFFC080, s22  }
0x19: {  	[tilespmem:s19+$0x1830 ss:$0x81] =	vst.msk $0xffff, v59;
	p1 =	sgt.s32 s27, $0x7F;
	s22 =	ssub.s32 $0x4000, s22;
	p2 =	sgt.s32 s29, $0x7F  }
0x1a: {  	s30 =	sand.u32 $0x7, s10;
	[tilespmem:s19+$0x2040 ss:$0x81] =	vst.msk $0xffff, v60;
	s18 =	simm.s32 @p1 $0x0;
	s22 =	simm.s32 @p2 $0x0  }
0x1b: {  	s20 =	sshrl.u32 s20, $0x3;
	[tilespmem:s19+$0x2850 ss:$0x81] =	vst.msk $0xffff, v61;
	s17 =	ssub.s32 s21, s28;
	s18 =	smul.u32 s22, s18  }
0x1c: {  	[tilespmem:s19+$0x3060 ss:$0x81] =	vst.msk $0xffff, v62;
	s20 =	sadd.s32 s4, s20;
	s21 =	sshll.u32 s30, $0x12;
	s17 =	sshll.u32 s17, $0xB  }
0x1d: {  	[tilespmem:s19+$0x0 ss:$0x81] =	vst.msk $0xffff, v63;
	s31 =	sor.u32 $0x400, s21;
	s17 =	sadd.s32 s17, s20;
	s18 =	sand.u32 $0x3FFFFFFF, s18  }
0x1e: {  	[hbm4b:s17+s31] =	stream.strided.scatter [tilespmem:s16], [sflag:$0x2], s18, s8, s31, $0x20;
	[tilespmem:$0x10100] =	vst v63  }
.LBB1_5:
0x1f: {  	p1 =	slt.u32 s13, $0x2  }
0x20: {  	s17 =	smov.u32 s15;
	p2 =	sgt.s32 @!p1 s15, $0x2C0;
	s16 =	sshra.s32 @!p1 s15, $0x1F  }
0x21: {  	p3 =	sgt.s32 @!p1 s14, $0x3F80;
	s18 =	sshra.s32 @!p1 s14, $0x1F;
	p2 =	por !p2, p1  }
0x22: {  	s15 =	sand.u32 @!p1 s16, s15;
	p3 =	por !p3, p1;
	s16 =	smov.u32 s14  }
0x23: {  	s14 =	sand.u32 @!p1 s18, s14;
	s17 =	simm.s32 @p2 $0x2C0;
	s16 =	simm.s32 @p3 $0x3F80  }
0x24: {  	s15 =	ssub.s32 @!p1 s17, s15;
	s14 =	ssub.s32 @!p1 s16, s14  }
0x25: {  	s18 =	smov.u32 s12;
	s16 =	sadd.s32 @!p1 $0xFFFFFD40, s15;
	s17 =	sadd.s32 @!p1 $0xFFFFC080, s14  }
0x26: {  	s15 =	ssub.s32 @!p1 $0x340, s15;
	p2 =	sgt.s32 @!p1 s16, $0x7F;
	p3 =	sgt.s32 @!p1 s17, $0x7F  }
0x27: {  	s14 =	ssub.s32 @!p1 $0x4000, s14;
	p2 =	por !p2, p1;
	p3 =	por !p3, p1  }
0x28: {  	s16 =	sadd.s32 $0x80, s11;
	s15 =	simm.s32 @!p2 $0x0;
	s14 =	simm.s32 @!p3 $0x0  }
0x29: {  	p2 =	sgt.s32 s16, $0x33F;
	s14 =	smul.u32 @!p1 s14, s15;
	s15 =	sadd.s32 $0x1000, s12  }
0x2a: {  	s18 =	smov.u32 @p2 s15  }
0x2b: {  	s16 =	simm.s32 @p2 $0x0;
	p2 =	sgt.s32 s18, $0x3FFF  }
0x2c: {  	s18 =	smov.u32 @p2 s2;
	p2 =	sne.s32 s13, s7  }
.Ltmp1:
0x2d: {  	p0 =	por !p0, !p0;
	s17 =	simm.s32 @!p1 $0x2;
	(pc) =	sbr.rel @!p2 .LBB1_6-.Ltmp1, $4  }
0x2e: {  	s15 =	smov.u32 s9;
	s9 =	smov.u32 s11;
	s14 =	sand.u32 @!p1 $0x3FFFFFFF, s14  }
0x2f: {  	s11 =	smov.u32 s16;
	_ =	swait.ge @!p1 [sflag:s17], s14;
	s19 =	ssub.s32 @!p1 $0x0, s14  }
0x30: {  	s14 =	smov.u32 s10;
	s13 =	sadd.s32 $0x1, s13;
	[sflag:s17] =	ssyncset.done @!p1 $0x0  }
0x31: {  	s10 =	smov.u32 s12;
	s12 =	smov.u32 s18;
	[sflag:s17] =	ssyncadd.s32 @!p1 s19  }
.LBB1_1:
0x32: {  	p1 =	sge.u32 s13, s6  }
0x33: {  	s16 =	sshrl.u32 @!p1 s12, $0x3  }
0x34: {  	s17 =	sshll.u32 @!p1 s11, $0x3;
	s16 =	smul.u32 @!p1 $0x1C00, s16  }
0x35: {  	s18 =	sshll.u32 @!p1 s12, $0x7;
	s17 =	sand.u32 @!p1 $0xFFFFFC00, s17  }
0x36: {  	s16 =	sadd.s32 @!p1 s16, s17;
	s17 =	sand.u32 @!p1 $0x380, s18  }
0x37: {  	s16 =	sor.u32 @!p1 s17, s16  }
0x38: {  	s17 =	sshrl.u32 @!p1 s16, $0x7  }
0x39: {  	s17 =	smulhi.u32 @!p1 $0x24924925, s17;
	_ =	sdelay $0x1  }
0x3a: {  	s18 =	sand.u32 @!p1 $0x7F, s11;
	s19 =	smul.u32 @!p1 $0x380, s17  }
0x3b: {  	s31 =	sadd.s32 $0xFFFFFFFF, s13;
	s16 =	sor.u32 @!p1 s18, s16;
	s18 =	sxor.u32 @!p1 $0xFFFFFFFF, s13  }
0x3c: {  	s18 =	sshll.u32 @!p1 s18, $0xE;
	s17 =	sand.u32 @!p1 $0x3FFF, s17;
	s16 =	ssub.s32 @!p1 s16, s19  }
0x3d: {  	s17 =	smul.u32 @!p1 $0x70, s17;
	s19 =	sshrl.u32 @!p1 s16, $0x3;
	s16 =	sand.u32 @!p1 $0x7, s16  }
0x3e: {  	s18 =	sand.u32 @!p1 $0x4000, s18;
	s19 =	sadd.s32 @!p1 s3, s19;
	s16 =	sshll.u32 @!p1 s16, $0x12  }
0x3f: {  	s17 =	sadd.s32 @!p1 s17, s19;
	s16 =	sor.u32 @!p1 $0x400, s16;
	s19 =	simm.s32 @!p1 $0x1C00  }
0x40: {  	[tilespmem:s18], [sflag:$0x1] =	stream.strided.gather @!p1 [hbm4b:s17+s16], $0x4000, s19, s16, $0x38;
	[tilespmem:$0x10100] =	vst v63  }
0x41: {  	p1 =	sge.u32 s31, s6  }
.Ltmp2:
0x42: {  	_ = 	snop;
	(pc) =	sbr.rel @p1 .LBB1_5-.Ltmp2, $1  }
0x43: {  	_ =	sdelay $0x3  }
0x44: {  	s16 =	simm.s32 $0x1  }
0x45: {  	_ =	swait.ge [sflag:s5], $0x4000;
	s16 =	simm.s32 @!p0 $0x0  }
0x46: {  	[sflag:s5] =	ssyncset.done $0x0;
	s17 =	sshll.u32 s16, $0xE  }
0x47: {  	[sflag:s5] =	ssyncadd.s32 $0xFFFFC000;
	s17 =	sor.u32 $0x40, s17  }
0x48: {  	s16 =	smul.u32 $0x10200, s16;
	v0 =	vld [tilespmem:s17+$0x30]  }
0x49: {  	v1 =	vld [tilespmem:s17+$0xFFFFFFD0]  }
0x4a: {  	s16 =	sshrl.u32 s16, $0x2;
	v5 =	vld [tilespmem:s17+$0xFFFFFFE0]  }
0x4b: {  	v6 =	vld [tilespmem:s17+$0xFFFFFFF0];
	s19 =	sor.u32 $0x8000, s16  }
0x4c: {  	s31 =	sand.u32 $0x1, s13;
	v4 =	vld [tilespmem:s17+$0x0];
	s18 =	sadd.s32 $0x0, s19  }
0x4d: {  	v3 =	vld [tilespmem:s17+$0x10];
	s16 =	smul.u32 $0x10200, s31;
	[tilespmem:s18+$0x3870 ss:$0x81] =	vst.msk $0xffff, v0  }
0x4e: {  	v2 =	vld [tilespmem:s17+$0x20];
	[tilespmem:s18+$0x810 ss:$0x81] =	vst.msk $0xffff, v1  }
0x4f: {  	s16 =	sshrl.u32 s16, $0x2;
	v1 =	vld [tilespmem:s17+$0xFFFFFFC0];
	[tilespmem:s18+$0x1020 ss:$0x81] =	vst.msk $0xffff, v5;
	s17 =	sadd.s32 $0x80, s17  }
0x50: {  	s20 =	simm.s32 $0x4;
	s21 =	simm.s32 $0x8;
	s16 =	sor.u32 $0x8000, s16;
	[tilespmem:s18+$0x1830 ss:$0x81] =	vst.msk $0xffff, v6;
	v0 =	vld [tilespmem:s17+$0x30]  }
.LBB1_3:
0x51: {  	p1 =	sne.s32 s21, $0x1FC;
	v5 =	vld [tilespmem:s17+$0xFFFFFFD0];
	[tilespmem:s18+$0x2040 ss:$0x81] =	vst.msk $0xffff, v4  }
0x52: {  	v6 =	vld [tilespmem:s17+$0xFFFFFFE0];
	[tilespmem:s18+$0x2850 ss:$0x81] =	vst.msk $0xffff, v3  }
0x53: {  	s22 =	sshra.s32 s20, $0x2;
	s20 =	smov.u32 s21;
	v7 =	vld [tilespmem:s17+$0xFFFFFFF0];
	[tilespmem:s18+$0x3060 ss:$0x81] =	vst.msk $0xffff, v2  }
.Ltmp3:
0x54: {  	v4 =	vld [tilespmem:s17+$0x0];
	[tilespmem:s18+$0x0 ss:$0x81] =	vst.msk $0xffff, v1;
	s18 =	sadd.s32 s22, s19;
	(pc) =	sbr.rel @p1 .LBB1_3-.Ltmp3, $4  }
0x55: {  	v3 =	vld [tilespmem:s17+$0x10];
	[tilespmem:s18+$0x3870 ss:$0x81] =	vst.msk $0xffff, v0  }
0x56: {  	[tilespmem:s18+$0x810 ss:$0x81] =	vst.msk $0xffff, v5;
	v2 =	vld [tilespmem:s17+$0x20]  }
0x57: {  	v1 =	vld [tilespmem:s17+$0xFFFFFFC0];
	[tilespmem:s18+$0x1020 ss:$0x81] =	vst.msk $0xffff, v6;
	s17 =	sadd.s32 $0x80, s17  }
0x58: {  	s21 =	sadd.s32 $0x4, s21;
	v0 =	vld [tilespmem:s17+$0x30];
	[tilespmem:s18+$0x1830 ss:$0x81] =	vst.msk $0xffff, v7  }
.Ltmp4:
0x59: {  	_ = 	snop;
	(pc) =	sbr.rel .LBB1_4-.Ltmp4, $1  }
0x5a: {  	_ =	sdelay $0x3  }
.LBB1_6:
0x5b: {  	_ =	sfence.sel $0x180000  }
0x5c: {  	s2 =	simm.s32 $0x1;
	[bflag:$0x0] =	sbarrier.arrive $0xFFFF  }
0x5d: {  	s31 =	simm.s32 $0x2;
	[sflag:s2] =	ssyncpa.u1 $0x1  }
0x5e: {  	[sflag:s31] =	ssyncpa.u1 $0x1  }
0x5f: {  	p0 =	sne.s32 s0, $0x0;
	_ =	strace $0x9000004A  }
0x60: {  	s0 =	sadd.s32 @!p0 $0x100000, s1;
	[bflag:$0x2] =	sbarrier.arrive $0xFFFF  }
0x61: {  	[sflag:s0] =	ssyncadd.tile.s32 @!p0 $0x1;
	_ =	shalt  }
.Lfunc_end1:
_tile_overlayer_lowered:
.L_overlay_start_2:
0x62: {  	(tag) =	ssettag $0x2  }
0x63: {  	s0 =	rddreg [dreg:$0x0];
	s2 =	stileid.u32  }
0x64: {  	s1 =	rddreg [dreg:$0x1];
	p0 =	sne.s32 s2, $0x0  }
0x65: {  	s3 =	rddreg [dreg:$0x2];
	[bflag:$0x3] =	sbarrier.arrive $0xFFFF;
	s2 =	simm.s32 @!p0 $0x1C01  }
0x66: {  	[timem:s3], [sflag:s2] =	dma.local @!p0 [hbm:s0], s1  }
0x67: {  	s0 =	simm.s32 @!p0 $0x1  }
0x68: {  	_ =	swait.ge @!p0 [sflag:s0], s1  }
0x69: {  	s1 =	ssub.s32 @!p0 $0x0, s1;
	[sflag:s0] =	ssyncset.done @!p0 $0x0  }
0x6a: {  	[sflag:s0] =	ssyncadd.s32 @!p0 s1  }
0x6b: {  	[bflag:$0x3] =	sbarrier.arrive $0xFFFF  }
0x6c: {  	_ =	shalt  }

</sc_bundles>
